<compile_context>
chip_gen: v7x
topology: tpu7x:2x2x1
jax: 0.10.2.dev20260603
libtpu: 0.0.44.dev20260713+nightly
codegen_flags: <defaults>
</compile_context>

<pallas_src>
import functools

import jax
import jax.numpy as jnp
from jax import lax
from jax.experimental import pallas as pl
from jax.experimental.pallas import tpu as pltpu
from jax.experimental.pallas import tpu_sc as plsc

BINS = 256
B, C, H, W = 32, 3, 512, 512
NROWS = B * C
NH = C * BINS
NC, NS, LANES = 2, 16, 16
NW = NC * NS
ROWS_PER_TILE = NROWS // NW
HBLK = 64
NCH = H // HBLK
NCHUNKS = ROWS_PER_TILE * NCH
VPC = HBLK * W // LANES
SCALE = 1.0 / (NH * B * H * W)

_mesh = plsc.VectorSubcoreMesh(core_axis_name="c", subcore_axis_name="s")


@functools.partial(
    pl.kernel,
    mesh=_mesh,
    out_type=jax.ShapeDtypeStruct((NW * NH * LANES,), jnp.float32),
    compiler_params=pltpu.CompilerParams(
        needs_layout_passes=False, use_tc_tiling_on_sc=True
    ),
    scratch_types=[
        pltpu.VMEM((HBLK, W), jnp.float32),
        pltpu.VMEM((HBLK, W), jnp.float32),
        pltpu.VMEM((NH * LANES,), jnp.float32),
        pltpu.SemaphoreType.DMA,
        pltpu.SemaphoreType.DMA,
    ],
)
def _sc_hist(fake_hbm, real_hbm, out_hbm, buf0, buf1, acc, sem0, sem1):
    wid = lax.axis_index("s") * NC + lax.axis_index("c")
    lane = lax.iota(jnp.int32, LANES)

    def zbody(r, _):
        acc[pl.ds(r * LANES, LANES)] = jnp.zeros((LANES,), jnp.float32)
        return 0

    lax.fori_loop(0, NH, zbody, 0, unroll=8)

    for src, sign in ((fake_hbm, 1.0), (real_hbm, -1.0)):
        vals = jnp.full((LANES,), sign, jnp.float32)

        def issue(c, buf, sem):
            j = c // NCH
            h0 = (c % NCH) * HBLK
            r = wid * ROWS_PER_TILE + j
            pltpu.async_copy(
                src.at[r // C, r % C, pl.ds(h0, HBLK), :], buf, sem
            )

        def wait(buf, sem):
            pltpu.make_async_copy(
                src.at[0, 0, pl.ds(0, HBLK), :], buf, sem
            ).wait()

        def process(c, buf):
            base = lane + (c // NCH) * (BINS * LANES) - 0x7F000

            @plsc.parallel_loop(0, VPC, unroll=16)
            def vbody(i):
                x = buf[i // (W // LANES), pl.ds((i % (W // LANES)) * LANES, LANES)]
                bits = plsc.bitcast(x + 1.0, jnp.int32)
                idx = lax.bitwise_and(
                    lax.shift_right_logical(bits, 11), jnp.int32(-16)
                ) + base
                plsc.addupdate_scatter(acc, [idx], vals)

        issue(0, buf0, sem0)
        issue(1, buf1, sem1)

        def pair_body(step, _):
            c0 = 2 * step
            wait(buf0, sem0)
            process(c0, buf0)

            @pl.when(c0 + 2 < NCHUNKS)
            def _():
                issue(c0 + 2, buf0, sem0)

            wait(buf1, sem1)
            process(c0 + 1, buf1)

            @pl.when(c0 + 3 < NCHUNKS)
            def _():
                issue(c0 + 3, buf1, sem1)

            return 0

        lax.fori_loop(0, NCHUNKS // 2, pair_body, 0)

    pltpu.sync_copy(acc, out_hbm.at[pl.ds(wid * NH * LANES, NH * LANES)])


def _loss_body(p_ref, o_ref):
    s = jnp.sum(p_ref[...], axis=0)
    fold = (
        lax.broadcasted_iota(jnp.int32, (128, 8), 0) // LANES
        == lax.broadcasted_iota(jnp.int32, (128, 8), 1)
    ).astype(jnp.float32)
    h = jnp.dot(s, fold, preferred_element_type=jnp.float32)
    t = jnp.sum(jnp.abs(h), axis=1, keepdims=True)
    o_ref[...] = jnp.sum(t, axis=0, keepdims=True) * SCALE


_tc_loss = pl.pallas_call(
    _loss_body,
    out_shape=jax.ShapeDtypeStruct((1, 1), jnp.float32),
)


def kernel(fake_images, real_images):
    partials = _sc_hist(fake_images, real_images)
    loss = _tc_loss(partials.reshape(NW, NH * LANES // 128, 128))
    return loss[0, 0]

# --- scband reference (transcript-rebuilt; emitter-appended) ---
"""Pipeline reference for scband-histogram-loss-40140764348889 (READ-ONLY COPY).

The authoritative reference and input builder live on the scoring server;
editing this copy changes nothing except your own understanding.
"""

import jax, jax.numpy as jnp
import numpy as np

BINS = 256

def _compute_histogram(imgs, bins=BINS):
    B, C, H, W = imgs.shape
    x = imgs.reshape(B * C, H * W)
    # torch.histc with min=0, max=1: equal-width bins, value==max falls in last bin
    idx = jnp.clip(jnp.floor(x * bins).astype(jnp.int32), 0, bins - 1)
    offsets = (jnp.arange(B * C, dtype=jnp.int32) * bins)[:, None]
    flat = (idx + offsets).reshape(-1)
    counts = jnp.bincount(flat, length=B * C * bins).astype(jnp.float32)
    hist = counts.reshape(B, C, bins)
    hist = hist / jnp.clip(jnp.sum(hist, axis=-1, keepdims=True), 1e-12, None)
    return hist


def setup_inputs(seed: int = 0) -> dict:
    key = jax.random.key(seed)
    k1, k2 = jax.random.split(key)
    fake_images = jax.random.uniform(k1, (32, 3, 512, 512), dtype=jnp.float32)
    real_images = jax.random.uniform(k2, (32, 3, 512, 512), dtype=jnp.float32)
    return {"fake_images": fake_images, "real_images": real_images}


def reference(fake_images, real_images):
    # value_range is (0.0, 1.0) -> _normalize_images_for_hist is identity
    hist_fake = _compute_histogram(fake_images, bins=BINS)
    hist_real = _compute_histogram(real_images, bins=BINS)
    avg_hist_fake = jnp.mean(hist_fake, axis=0)
    avg_hist_real = jnp.mean(hist_real, axis=0)
    # loss_type == 'l1' -> F.l1_loss (mean absolute error)
    loss = jnp.mean(jnp.abs(avg_hist_fake - avg_hist_real))
    return loss

if __name__ == "__main__":
    import jax
    _d = setup_inputs()
    print(jax.jit(kernel)(*tuple(_d.values())))

</pallas_src>

<mosaic_0001>
#map = affine_map<(d0, d1) -> (0, 0, 0, 0)>
#map1 = affine_map<(d0, d1) -> (0)>
module attributes {stable_mosaic.version = 14 : i64} {
  func.func @_sc_hist(%arg0: i32, %arg1: i32, %arg2: memref<32x3x512x512xf32, #tpu.memory_space<hbm>>, %arg3: memref<32x3x512x512xf32, #tpu.memory_space<hbm>>, %arg4: memref<393216xf32, #tpu.memory_space<hbm>>, %arg5: memref<64x512xf32, #tpu.memory_space<vmem>>, %arg6: memref<64x512xf32, #tpu.memory_space<vmem>>, %arg7: memref<12288xf32, #tpu.memory_space<vmem>>, %arg8: memref<!tpu.dma_semaphore, #tpu.memory_space<semaphore_mem>>, %arg9: memref<!tpu.dma_semaphore, #tpu.memory_space<semaphore_mem>>) attributes {dimension_semantics = [#tpu.dimension_semantics<core_parallel>, #tpu.dimension_semantics<subcore_parallel>], iteration_bounds = array<i64: 2, 16>, scalar_prefetch = 0 : i64, scratch_operands = 5 : i64, tpu.core_type = #tpu.core_type<sc_vector_subcore>, window_params = [{transform_indices = #map}, {transform_indices = #map}, {transform_indices = #map1}]} {
    %mul3A = arith.constant 2 : i32
    %mul3A_0 = arith.muli %arg1, %mul3A : i32
    %add3A = arith.addi %mul3A_0, %arg0 : i32
    %iota3A = tpu.iota {dimensions = array<i32: 0>} : vector<16xi32>
    %scan3A = arith.constant 0 : i32
    %scan3A_1 = arith.constant 0 : i32
    %scan3A_2 = arith.constant 768 : i32
    %scan3A_3 = arith.addi %scan3A_1, %scan3A_2 : i32
    %scan3A_4 = arith.constant 8 : i32
    %scan3A_5 = scf.for %scan3A_225 = %scan3A_1 to %scan3A_3 step %scan3A_4 iter_args(%scan3A_226 = %scan3A) -> (i32)  : i32 {
      %broadcast_in_dim3A_227 = arith.constant 0.000000e+00 : f32
      %broadcast_in_dim3A_228 = vector.broadcast %broadcast_in_dim3A_227 : f32 to vector<16xf32>
      %mul3A_229 = arith.constant 16 : i32
      %mul3A_230 = arith.muli %scan3A_225, %mul3A_229 : i32
      %swap3A = arith.index_cast %mul3A_230 : i32 to index
      %swap3A_231 = tpu.vector_load %arg7[%swap3A] {strides = array<i32>} : memref<12288xf32, #tpu.memory_space<vmem>>, vector<16xf32>,
      tpu.vector_store %arg7[%swap3A], %broadcast_in_dim3A_228 {strides = array<i32>} : memref<12288xf32, #tpu.memory_space<vmem>>, vector<16xf32>,
      %scan3A_232 = arith.constant 0 : i32
      %scan3A_233 = arith.constant 1 : i32
      %scan3A_234 = arith.addi %scan3A_225, %scan3A_233 : i32
      %broadcast_in_dim3A_235 = arith.constant 0.000000e+00 : f32
      %broadcast_in_dim3A_236 = vector.broadcast %broadcast_in_dim3A_235 : f32 to vector<16xf32>
      %mul3A_237 = arith.constant 16 : i32
      %mul3A_238 = arith.muli %scan3A_234, %mul3A_237 : i32
      %swap3A_239 = arith.index_cast %mul3A_238 : i32 to index
      %swap3A_240 = tpu.vector_load %arg7[%swap3A_239] {strides = array<i32>} : memref<12288xf32, #tpu.memory_space<vmem>>, vector<16xf32>,
      tpu.vector_store %arg7[%swap3A_239], %broadcast_in_dim3A_236 {strides = array<i32>} : memref<12288xf32, #tpu.memory_space<vmem>>, vector<16xf32>,
      %scan3A_241 = arith.constant 0 : i32
      %scan3A_242 = arith.constant 2 : i32
      %scan3A_243 = arith.addi %scan3A_225, %scan3A_242 : i32
      %broadcast_in_dim3A_244 = arith.constant 0.000000e+00 : f32
      %broadcast_in_dim3A_245 = vector.broadcast %broadcast_in_dim3A_244 : f32 to vector<16xf32>
      %mul3A_246 = arith.constant 16 : i32
      %mul3A_247 = arith.muli %scan3A_243, %mul3A_246 : i32
      %swap3A_248 = arith.index_cast %mul3A_247 : i32 to index
      %swap3A_249 = tpu.vector_load %arg7[%swap3A_248] {strides = array<i32>} : memref<12288xf32, #tpu.memory_space<vmem>>, vector<16xf32>,
      tpu.vector_store %arg7[%swap3A_248], %broadcast_in_dim3A_245 {strides = array<i32>} : memref<12288xf32, #tpu.memory_space<vmem>>, vector<16xf32>,
      %scan3A_250 = arith.constant 0 : i32
      %scan3A_251 = arith.constant 3 : i32
      %scan3A_252 = arith.addi %scan3A_225, %scan3A_251 : i32
      %broadcast_in_dim3A_253 = arith.constant 0.000000e+00 : f32
      %broadcast_in_dim3A_254 = vector.broadcast %broadcast_in_dim3A_253 : f32 to vector<16xf32>
      %mul3A_255 = arith.constant 16 : i32
      %mul3A_256 = arith.muli %scan3A_252, %mul3A_255 : i32
      %swap3A_257 = arith.index_cast %mul3A_256 : i32 to index
      %swap3A_258 = tpu.vector_load %arg7[%swap3A_257] {strides = array<i32>} : memref<12288xf32, #tpu.memory_space<vmem>>, vector<16xf32>,
      tpu.vector_store %arg7[%swap3A_257], %broadcast_in_dim3A_254 {strides = array<i32>} : memref<12288xf32, #tpu.memory_space<vmem>>, vector<16xf32>,
      %scan3A_259 = arith.constant 0 : i32
      %scan3A_260 = arith.constant 4 : i32
      %scan3A_261 = arith.addi %scan3A_225, %scan3A_260 : i32
      %broadcast_in_dim3A_262 = arith.constant 0.000000e+00 : f32
      %broadcast_in_dim3A_263 = vector.broadcast %broadcast_in_dim3A_262 : f32 to vector<16xf32>
      %mul3A_264 = arith.constant 16 : i32
      %mul3A_265 = arith.muli %scan3A_261, %mul3A_264 : i32
      %swap3A_266 = arith.index_cast %mul3A_265 : i32 to index
      %swap3A_267 = tpu.vector_load %arg7[%swap3A_266] {strides = array<i32>} : memref<12288xf32, #tpu.memory_space<vmem>>, vector<16xf32>,
      tpu.vector_store %arg7[%swap3A_266], %broadcast_in_dim3A_263 {strides = array<i32>} : memref<12288xf32, #tpu.memory_space<vmem>>, vector<16xf32>,
      %scan3A_268 = arith.constant 0 : i32
      %scan3A_269 = arith.constant 5 : i32
      %scan3A_270 = arith.addi %scan3A_225, %scan3A_269 : i32
      %broadcast_in_dim3A_271 = arith.constant 0.000000e+00 : f32
      %broadcast_in_dim3A_272 = vector.broadcast %broadcast_in_dim3A_271 : f32 to vector<16xf32>
      %mul3A_273 = arith.constant 16 : i32
      %mul3A_274 = arith.muli %scan3A_270, %mul3A_273 : i32
      %swap3A_275 = arith.index_cast %mul3A_274 : i32 to index
      %swap3A_276 = tpu.vector_load %arg7[%swap3A_275] {strides = array<i32>} : memref<12288xf32, #tpu.memory_space<vmem>>, vector<16xf32>,
      tpu.vector_store %arg7[%swap3A_275], %broadcast_in_dim3A_272 {strides = array<i32>} : memref<12288xf32, #tpu.memory_space<vmem>>, vector<16xf32>,
      %scan3A_277 = arith.constant 0 : i32
      %scan3A_278 = arith.constant 6 : i32
      %scan3A_279 = arith.addi %scan3A_225, %scan3A_278 : i32
      %broadcast_in_dim3A_280 = arith.constant 0.000000e+00 : f32
      %broadcast_in_dim3A_281 = vector.broadcast %broadcast_in_dim3A_280 : f32 to vector<16xf32>
      %mul3A_282 = arith.constant 16 : i32
      %mul3A_283 = arith.muli %scan3A_279, %mul3A_282 : i32
      %swap3A_284 = arith.index_cast %mul3A_283 : i32 to index
      %swap3A_285 = tpu.vector_load %arg7[%swap3A_284] {strides = array<i32>} : memref<12288xf32, #tpu.memory_space<vmem>>, vector<16xf32>,
      tpu.vector_store %arg7[%swap3A_284], %broadcast_in_dim3A_281 {strides = array<i32>} : memref<12288xf32, #tpu.memory_space<vmem>>, vector<16xf32>,
      %scan3A_286 = arith.constant 0 : i32
      %scan3A_287 = arith.constant 7 : i32
      %scan3A_288 = arith.addi %scan3A_225, %scan3A_287 : i32
      %broadcast_in_dim3A_289 = arith.constant 0.000000e+00 : f32
      %broadcast_in_dim3A_290 = vector.broadcast %broadcast_in_dim3A_289 : f32 to vector<16xf32>
      %mul3A_291 = arith.constant 16 : i32
      %mul3A_292 = arith.muli %scan3A_288, %mul3A_291 : i32
      %swap3A_293 = arith.index_cast %mul3A_292 : i32 to index
      %swap3A_294 = tpu.vector_load %arg7[%swap3A_293] {strides = array<i32>} : memref<12288xf32, #tpu.memory_space<vmem>>, vector<16xf32>,
      tpu.vector_store %arg7[%swap3A_293], %broadcast_in_dim3A_290 {strides = array<i32>} : memref<12288xf32, #tpu.memory_space<vmem>>, vector<16xf32>,
      %scan3A_295 = arith.constant 0 : i32
      scf.yield %scan3A_295 : i32
    }
    %scan3A_6 = arith.constant 768 : i32
    %broadcast_in_dim3A = arith.constant 1.000000e+00 : f32
    %broadcast_in_dim3A_7 = vector.broadcast %broadcast_in_dim3A : f32 to vector<16xf32>
    %mul3A_8 = arith.constant 3 : i32
    %mul3A_9 = arith.muli %add3A, %mul3A_8 : i32
    %add3A_10 = arith.constant 0 : i32
    %add3A_11 = arith.addi %mul3A_9, %add3A_10 : i32
    %jit3A = arith.constant 3 : i32
    %div3A = arith.divsi %add3A_11, %jit3A : i32
    %sign3A = arith.constant 0 : i32
    %sign3A_12 = arith.cmpi sgt, %add3A_11, %sign3A : i32
    %sign3A_13 = arith.extui %sign3A_12 : i1 to i32
    %sign3A_14 = arith.constant 0 : i32
    %sign3A_15 = arith.cmpi slt, %add3A_11, %sign3A_14 : i32
    %sign3A_16 = arith.extui %sign3A_15 : i1 to i32
    %sign3A_17 = arith.subi %sign3A_13, %sign3A_16 : i32
    %sign3A_18 = arith.constant 0 : i32
    %sign3A_19 = arith.cmpi sgt, %jit3A, %sign3A_18 : i32
    %sign3A_20 = arith.extui %sign3A_19 : i1 to i32
    %sign3A_21 = arith.constant 0 : i32
    %sign3A_22 = arith.cmpi slt, %jit3A, %sign3A_21 : i32
    %sign3A_23 = arith.extui %sign3A_22 : i1 to i32
    %sign3A_24 = arith.subi %sign3A_20, %sign3A_23 : i32
    %ne3A = arith.cmpi ne, %sign3A_17, %sign3A_24 : i32
    %rem3A = arith.remsi %add3A_11, %jit3A : i32
    %ne3A_25 = arith.constant 0 : i32
    %ne3A_26 = arith.cmpi ne, %rem3A, %ne3A_25 : i32
    %and3A = arith.andi %ne3A, %ne3A_26 : i1
    %sub3A = arith.constant 1 : i32
    %sub3A_27 = arith.subi %div3A, %sub3A : i32
    %select_n3A = arith.select %and3A, %sub3A_27, %div3A : i32
    %jit3A_28 = arith.constant 3 : i32
    %eq3A = arith.constant 0 : i32
    %eq3A_29 = arith.cmpi eq, %jit3A_28, %eq3A : i32
    %jit3A_30 = arith.constant 1 : i32
    %select_n3A_31 = arith.select %eq3A_29, %jit3A_30, %jit3A_28 : i32
    %rem3A_32 = arith.remsi %add3A_11, %select_n3A_31 : i32
    %ne3A_33 = arith.constant 0 : i32
    %ne3A_34 = arith.cmpi ne, %rem3A_32, %ne3A_33 : i32
    %lt3A = arith.constant 0 : i32
    %lt3A_35 = arith.cmpi slt, %rem3A_32, %lt3A : i32
    %lt3A_36 = arith.constant 0 : i32
    %lt3A_37 = arith.cmpi slt, %select_n3A_31, %lt3A_36 : i32
    %ne3A_38 = arith.xori %lt3A_35, %lt3A_37 : i1
    %and3A_39 = arith.andi %ne3A_38, %ne3A_34 : i1
    %add3A_40 = arith.addi %rem3A_32, %select_n3A_31 : i32
    %select_n3A_41 = arith.select %and3A_39, %add3A_40, %rem3A_32 : i32
    %dma_start3A = arith.constant 0 : i32
    %dma_start3A_42 = arith.constant 0 : i32
    %dma_start3A_43 = tpu.memref_slice %arg2[%select_n3A, %select_n3A_41, %dma_start3A, %dma_start3A_42] : memref<32x3x512x512xf32, #tpu.memory_space<hbm>> -> memref<1x1x64x512xf32, #tpu.memory_space<hbm>>
    %dma_start3A_44 = tpu.memref_squeeze %dma_start3A_43 : memref<1x1x64x512xf32, #tpu.memory_space<hbm>> -> memref<64x512xf32, #tpu.memory_space<hbm>>
    %dma_start3A_45 = arith.constant 0 : i32
    %dma_start3A_46 = arith.constant 0 : i32
    %dma_start3A_47 = tpu.memref_slice %arg2[%select_n3A, %select_n3A_41, %dma_start3A_45, %dma_start3A_46] : memref<32x3x512x512xf32, #tpu.memory_space<hbm>> -> memref<1x1x64x512xf32, #tpu.memory_space<hbm>>
    %dma_start3A_48 = tpu.memref_squeeze %dma_start3A_47 : memref<1x1x64x512xf32, #tpu.memory_space<hbm>> -> memref<64x512xf32, #tpu.memory_space<hbm>>
    tpu.enqueue_dma source(%dma_start3A_48 : memref<64x512xf32, #tpu.memory_space<hbm>>) target(%arg5 : memref<64x512xf32, #tpu.memory_space<vmem>>) target_semaphore(%arg8 : memref<!tpu.dma_semaphore, #tpu.memory_space<semaphore_mem>>)
    %mul3A_49 = arith.constant 3 : i32
    %mul3A_50 = arith.muli %add3A, %mul3A_49 : i32
    %add3A_51 = arith.constant 0 : i32
    %add3A_52 = arith.addi %mul3A_50, %add3A_51 : i32
    %jit3A_53 = arith.constant 3 : i32
    %div3A_54 = arith.divsi %add3A_52, %jit3A_53 : i32
    %sign3A_55 = arith.constant 0 : i32
    %sign3A_56 = arith.cmpi sgt, %add3A_52, %sign3A_55 : i32
    %sign3A_57 = arith.extui %sign3A_56 : i1 to i32
    %sign3A_58 = arith.constant 0 : i32
    %sign3A_59 = arith.cmpi slt, %add3A_52, %sign3A_58 : i32
    %sign3A_60 = arith.extui %sign3A_59 : i1 to i32
    %sign3A_61 = arith.subi %sign3A_57, %sign3A_60 : i32
    %sign3A_62 = arith.constant 0 : i32
    %sign3A_63 = arith.cmpi sgt, %jit3A_53, %sign3A_62 : i32
    %sign3A_64 = arith.extui %sign3A_63 : i1 to i32
    %sign3A_65 = arith.constant 0 : i32
    %sign3A_66 = arith.cmpi slt, %jit3A_53, %sign3A_65 : i32
    %sign3A_67 = arith.extui %sign3A_66 : i1 to i32
    %sign3A_68 = arith.subi %sign3A_64, %sign3A_67 : i32
    %ne3A_69 = arith.cmpi ne, %sign3A_61, %sign3A_68 : i32
    %rem3A_70 = arith.remsi %add3A_52, %jit3A_53 : i32
    %ne3A_71 = arith.constant 0 : i32
    %ne3A_72 = arith.cmpi ne, %rem3A_70, %ne3A_71 : i32
    %and3A_73 = arith.andi %ne3A_69, %ne3A_72 : i1
    %sub3A_74 = arith.constant 1 : i32
    %sub3A_75 = arith.subi %div3A_54, %sub3A_74 : i32
    %select_n3A_76 = arith.select %and3A_73, %sub3A_75, %div3A_54 : i32
    %jit3A_77 = arith.constant 3 : i32
    %eq3A_78 = arith.constant 0 : i32
    %eq3A_79 = arith.cmpi eq, %jit3A_77, %eq3A_78 : i32
    %jit3A_80 = arith.constant 1 : i32
    %select_n3A_81 = arith.select %eq3A_79, %jit3A_80, %jit3A_77 : i32
    %rem3A_82 = arith.remsi %add3A_52, %select_n3A_81 : i32
    %ne3A_83 = arith.constant 0 : i32
    %ne3A_84 = arith.cmpi ne, %rem3A_82, %ne3A_83 : i32
    %lt3A_85 = arith.constant 0 : i32
    %lt3A_86 = arith.cmpi slt, %rem3A_82, %lt3A_85 : i32
    %lt3A_87 = arith.constant 0 : i32
    %lt3A_88 = arith.cmpi slt, %select_n3A_81, %lt3A_87 : i32
    %ne3A_89 = arith.xori %lt3A_86, %lt3A_88 : i1
    %and3A_90 = arith.andi %ne3A_89, %ne3A_84 : i1
    %add3A_91 = arith.addi %rem3A_82, %select_n3A_81 : i32
    %select_n3A_92 = arith.select %and3A_90, %add3A_91, %rem3A_82 : i32
    %dma_start3A_93 = arith.constant 64 : i32
    %dma_start3A_94 = arith.constant 0 : i32
    %dma_start3A_95 = tpu.memref_slice %arg2[%select_n3A_76, %select_n3A_92, %dma_start3A_93, %dma_start3A_94] : memref<32x3x512x512xf32, #tpu.memory_space<hbm>> -> memref<1x1x64x512xf32, #tpu.memory_space<hbm>>
    %dma_start3A_96 = tpu.memref_squeeze %dma_start3A_95 : memref<1x1x64x512xf32, #tpu.memory_space<hbm>> -> memref<64x512xf32, #tpu.memory_space<hbm>>
    %dma_start3A_97 = arith.constant 64 : i32
    %dma_start3A_98 = arith.constant 0 : i32
    %dma_start3A_99 = tpu.memref_slice %arg2[%select_n3A_76, %select_n3A_92, %dma_start3A_97, %dma_start3A_98] : memref<32x3x512x512xf32, #tpu.memory_space<hbm>> -> memref<1x1x64x512xf32, #tpu.memory_space<hbm>>
    %dma_start3A_100 = tpu.memref_squeeze %dma_start3A_99 : memref<1x1x64x512xf32, #tpu.memory_space<hbm>> -> memref<64x512xf32, #tpu.memory_space<hbm>>
    tpu.enqueue_dma source(%dma_start3A_100 : memref<64x512xf32, #tpu.memory_space<hbm>>) target(%arg6 : memref<64x512xf32, #tpu.memory_space<vmem>>) target_semaphore(%arg9 : memref<!tpu.dma_semaphore, #tpu.memory_space<semaphore_mem>>)
    %scan3A_101 = arith.constant 0 : i32
    %scan3A_102 = arith.constant 0 : i32
    %scan3A_103 = arith.constant 12 : i32
    %scan3A_104 = arith.addi %scan3A_102, %scan3A_103 : i32
    %scan3A_105 = arith.constant 1 : i32
    %scan3A_106 = scf.for %scan3A_225 = %scan3A_102 to %scan3A_104 step %scan3A_105 iter_args(%scan3A_226 = %scan3A_101) -> (i32)  : i32 {
      %mul3A_227 = arith.constant 2 : i32
      %mul3A_228 = arith.muli %mul3A_227, %scan3A_225 : i32
      %dma_wait3A = arith.constant 0 : i32
      %dma_wait3A_229 = arith.constant 0 : i32
      %dma_wait3A_230 = arith.constant 0 : i32
      %dma_wait3A_231 = arith.constant 0 : i32
      %dma_wait3A_232 = tpu.memref_slice %arg2[%dma_wait3A, %dma_wait3A_229, %dma_wait3A_230, %dma_wait3A_231] : memref<32x3x512x512xf32, #tpu.memory_space<hbm>> -> memref<1x1x64x512xf32, #tpu.memory_space<hbm>>
      %dma_wait3A_233 = tpu.memref_squeeze %dma_wait3A_232 : memref<1x1x64x512xf32, #tpu.memory_space<hbm>> -> memref<64x512xf32, #tpu.memory_space<hbm>>
      %dma_wait3A_234 = arith.constant 0 : i32
      %dma_wait3A_235 = arith.constant 0 : i32
      %dma_wait3A_236 = tpu.memref_slice %arg2[%dma_wait3A, %dma_wait3A_229, %dma_wait3A_234, %dma_wait3A_235] : memref<32x3x512x512xf32, #tpu.memory_space<hbm>> -> memref<1x1x64x512xf32, #tpu.memory_space<hbm>>
      %dma_wait3A_237 = tpu.memref_squeeze %dma_wait3A_236 : memref<1x1x64x512xf32, #tpu.memory_space<hbm>> -> memref<64x512xf32, #tpu.memory_space<hbm>>
      tpu.wait_dma2 semaphore(%arg8 : memref<!tpu.dma_semaphore, #tpu.memory_space<semaphore_mem>>) src(%dma_wait3A_237 : memref<64x512xf32, #tpu.memory_space<hbm>>) dst(%arg5 : memref<64x512xf32, #tpu.memory_space<vmem>>)
      %jit3A_238 = arith.constant 8 : i32
      %div3A_239 = arith.divsi %mul3A_228, %jit3A_238 : i32
      %sign3A_240 = arith.constant 0 : i32
      %sign3A_241 = arith.cmpi sgt, %mul3A_228, %sign3A_240 : i32
      %sign3A_242 = arith.extui %sign3A_241 : i1 to i32
      %sign3A_243 = arith.constant 0 : i32
      %sign3A_244 = arith.cmpi slt, %mul3A_228, %sign3A_243 : i32
      %sign3A_245 = arith.extui %sign3A_244 : i1 to i32
      %sign3A_246 = arith.subi %sign3A_242, %sign3A_245 : i32
      %sign3A_247 = arith.constant 0 : i32
      %sign3A_248 = arith.cmpi sgt, %jit3A_238, %sign3A_247 : i32
      %sign3A_249 = arith.extui %sign3A_248 : i1 to i32
      %sign3A_250 = arith.constant 0 : i32
      %sign3A_251 = arith.cmpi slt, %jit3A_238, %sign3A_250 : i32
      %sign3A_252 = arith.extui %sign3A_251 : i1 to i32
      %sign3A_253 = arith.subi %sign3A_249, %sign3A_252 : i32
      %ne3A_254 = arith.cmpi ne, %sign3A_246, %sign3A_253 : i32
      %rem3A_255 = arith.remsi %mul3A_228, %jit3A_238 : i32
      %ne3A_256 = arith.constant 0 : i32
      %ne3A_257 = arith.cmpi ne, %rem3A_255, %ne3A_256 : i32
      %and3A_258 = arith.andi %ne3A_254, %ne3A_257 : i1
      %sub3A_259 = arith.constant 1 : i32
      %sub3A_260 = arith.subi %div3A_239, %sub3A_259 : i32
      %select_n3A_261 = arith.select %and3A_258, %sub3A_260, %div3A_239 : i32
      %mul3A_262 = arith.constant 4096 : i32
      %mul3A_263 = arith.muli %select_n3A_261, %mul3A_262 : i32
      %add3A_264 = vector.broadcast %mul3A_263 : i32 to vector<16xi32>
      %add3A_265 = arith.addi %iota3A, %add3A_264 : vector<16xi32>
      %sub3A_266 = arith.constant 520192 : i32
      %sub3A_267 = vector.broadcast %sub3A_266 : i32 to vector<16xi32>
      %sub3A_268 = arith.subi %add3A_265, %sub3A_267 : vector<16xi32>
      %parallel_loop3A = arith.constant 0 : i32
      %parallel_loop3A_269 = arith.constant 2048 : i32
      %parallel_loop3A_270 = arith.constant 1 : i32
      scf.for %parallel_loop3A_330 = %parallel_loop3A to %parallel_loop3A_269 step %parallel_loop3A_270  : i32 {
        %parallel_loop3A_331 = arith.constant 32 : i32
        %parallel_loop3A_332 = arith.divsi %parallel_loop3A_330, %parallel_loop3A_331 : i32
        %parallel_loop3A_333 = arith.constant 0 : i32
        %parallel_loop3A_334 = arith.cmpi sgt, %parallel_loop3A_330, %parallel_loop3A_333 : i32
        %parallel_loop3A_335 = arith.extui %parallel_loop3A_334 : i1 to i32
        %parallel_loop3A_336 = arith.constant 0 : i32
        %parallel_loop3A_337 = arith.cmpi slt, %parallel_loop3A_330, %parallel_loop3A_336 : i32
        %parallel_loop3A_338 = arith.extui %parallel_loop3A_337 : i1 to i32
        %parallel_loop3A_339 = arith.subi %parallel_loop3A_335, %parallel_loop3A_338 : i32
        %parallel_loop3A_340 = arith.constant 0 : i32
        %parallel_loop3A_341 = arith.cmpi sgt, %parallel_loop3A_331, %parallel_loop3A_340 : i32
        %parallel_loop3A_342 = arith.extui %parallel_loop3A_341 : i1 to i32
        %parallel_loop3A_343 = arith.constant 0 : i32
        %parallel_loop3A_344 = arith.cmpi slt, %parallel_loop3A_331, %parallel_loop3A_343 : i32
        %parallel_loop3A_345 = arith.extui %parallel_loop3A_344 : i1 to i32
        %parallel_loop3A_346 = arith.subi %parallel_loop3A_342, %parallel_loop3A_345 : i32
        %parallel_loop3A_347 = arith.cmpi ne, %parallel_loop3A_339, %parallel_loop3A_346 : i32
        %parallel_loop3A_348 = arith.remsi %parallel_loop3A_330, %parallel_loop3A_331 : i32
        %parallel_loop3A_349 = arith.constant 0 : i32
        %parallel_loop3A_350 = arith.cmpi ne, %parallel_loop3A_348, %parallel_loop3A_349 : i32
        %parallel_loop3A_351 = arith.andi %parallel_loop3A_347, %parallel_loop3A_350 : i1
        %parallel_loop3A_352 = arith.constant 1 : i32
        %parallel_loop3A_353 = arith.subi %parallel_loop3A_332, %parallel_loop3A_352 : i32
        %parallel_loop3A_354 = arith.select %parallel_loop3A_351, %parallel_loop3A_353, %parallel_loop3A_332 : i32
        %parallel_loop3A_355 = arith.constant 32 : i32
        %parallel_loop3A_356 = arith.constant 0 : i32
        %parallel_loop3A_357 = arith.cmpi eq, %parallel_loop3A_355, %parallel_loop3A_356 : i32
        %parallel_loop3A_358 = arith.constant 1 : i32
        %parallel_loop3A_359 = arith.select %parallel_loop3A_357, %parallel_loop3A_358, %parallel_loop3A_355 : i32
        %parallel_loop3A_360 = arith.remsi %parallel_loop3A_330, %parallel_loop3A_359 : i32
        %parallel_loop3A_361 = arith.constant 0 : i32
        %parallel_loop3A_362 = arith.cmpi ne, %parallel_loop3A_360, %parallel_loop3A_361 : i32
        %parallel_loop3A_363 = arith.constant 0 : i32
        %parallel_loop3A_364 = arith.cmpi slt, %parallel_loop3A_360, %parallel_loop3A_363 : i32
        %parallel_loop3A_365 = arith.constant 0 : i32
        %parallel_loop3A_366 = arith.cmpi slt, %parallel_loop3A_359, %parallel_loop3A_365 : i32
        %parallel_loop3A_367 = arith.xori %parallel_loop3A_364, %parallel_loop3A_366 : i1
        %parallel_loop3A_368 = arith.andi %parallel_loop3A_367, %parallel_loop3A_362 : i1
        %parallel_loop3A_369 = arith.addi %parallel_loop3A_360, %parallel_loop3A_359 : i32
        %parallel_loop3A_370 = arith.select %parallel_loop3A_368, %parallel_loop3A_369, %parallel_loop3A_360 : i32
        %parallel_loop3A_371 = arith.constant 16 : i32
        %parallel_loop3A_372 = arith.muli %parallel_loop3A_370, %parallel_loop3A_371 : i32
        %parallel_loop3A_373 = arith.index_cast %parallel_loop3A_354 : i32 to index
        %parallel_loop3A_374 = arith.index_cast %parallel_loop3A_372 : i32 to index
        %parallel_loop3A_375 = tpu.vector_load %arg5[%parallel_loop3A_373, %parallel_loop3A_374] {strides = array<i32>} : memref<64x512xf32, #tpu.memory_space<vmem>>, vector<16xf32>,
        %parallel_loop3A_376 = arith.constant 1.000000e+00 : f32
        %parallel_loop3A_377 = vector.broadcast %parallel_loop3A_376 : f32 to vector<16xf32>
        %parallel_loop3A_378 = arith.addf %parallel_loop3A_375, %parallel_loop3A_377 : vector<16xf32>
        %parallel_loop3A_379 = vector.bitcast %parallel_loop3A_378 : vector<16xf32> to vector<16xi32>
        %parallel_loop3A_380 = arith.constant 11 : i32
        %parallel_loop3A_381 = vector.broadcast %parallel_loop3A_380 : i32 to vector<16xi32>
        %parallel_loop3A_382 = arith.shrui %parallel_loop3A_379, %parallel_loop3A_381 : vector<16xi32>
        %parallel_loop3A_383 = arith.constant -16 : i32
        %parallel_loop3A_384 = vector.broadcast %parallel_loop3A_383 : i32 to vector<16xi32>
        %parallel_loop3A_385 = arith.andi %parallel_loop3A_382, %parallel_loop3A_384 : vector<16xi32>
        %parallel_loop3A_386 = arith.addi %parallel_loop3A_385, %sub3A_268 : vector<16xi32>
        tpu.vector_store_idx %arg7[%parallel_loop3A_386], %broadcast_in_dim3A_7 {add = true} : memref<12288xf32, #tpu.memory_space<vmem>>[vector<16xi32>], vector<16xf32>,
      } {sc.loop_unroll_factor = 16 : i64, sc.parallel_access}
      %add3A_271 = arith.constant 2 : i32
      %add3A_272 = arith.addi %mul3A_228, %add3A_271 : i32
      %lt3A_273 = arith.constant 24 : i32
      %lt3A_274 = arith.cmpi slt, %add3A_272, %lt3A_273 : i32
      %convert_element_type3A = arith.extui %lt3A_274 : i1 to i32
      %cond3A = arith.constant 0 : i32
      %cond3A_275 = arith.cmpi ne, %convert_element_type3A, %cond3A : i32
      scf.if %cond3A_275 {
        %add3A_330 = arith.constant 2 : i32
        %add3A_331 = arith.addi %mul3A_228, %add3A_330 : i32
        %jit3A_332 = arith.constant 8 : i32
        %div3A_333 = arith.divsi %add3A_331, %jit3A_332 : i32
        %sign3A_334 = arith.constant 0 : i32
        %sign3A_335 = arith.cmpi sgt, %add3A_331, %sign3A_334 : i32
        %sign3A_336 = arith.extui %sign3A_335 : i1 to i32
        %sign3A_337 = arith.constant 0 : i32
        %sign3A_338 = arith.cmpi slt, %add3A_331, %sign3A_337 : i32
        %sign3A_339 = arith.extui %sign3A_338 : i1 to i32
        %sign3A_340 = arith.subi %sign3A_336, %sign3A_339 : i32
        %sign3A_341 = arith.constant 0 : i32
        %sign3A_342 = arith.cmpi sgt, %jit3A_332, %sign3A_341 : i32
        %sign3A_343 = arith.extui %sign3A_342 : i1 to i32
        %sign3A_344 = arith.constant 0 : i32
        %sign3A_345 = arith.cmpi slt, %jit3A_332, %sign3A_344 : i32
        %sign3A_346 = arith.extui %sign3A_345 : i1 to i32
        %sign3A_347 = arith.subi %sign3A_343, %sign3A_346 : i32
        %ne3A_348 = arith.cmpi ne, %sign3A_340, %sign3A_347 : i32
        %rem3A_349 = arith.remsi %add3A_331, %jit3A_332 : i32
        %ne3A_350 = arith.constant 0 : i32
        %ne3A_351 = arith.cmpi ne, %rem3A_349, %ne3A_350 : i32
        %and3A_352 = arith.andi %ne3A_348, %ne3A_351 : i1
        %sub3A_353 = arith.constant 1 : i32
        %sub3A_354 = arith.subi %div3A_333, %sub3A_353 : i32
        %select_n3A_355 = arith.select %and3A_352, %sub3A_354, %div3A_333 : i32
        %jit3A_356 = arith.constant 8 : i32
        %eq3A_357 = arith.constant 0 : i32
        %eq3A_358 = arith.cmpi eq, %jit3A_356, %eq3A_357 : i32
        %jit3A_359 = arith.constant 1 : i32
        %select_n3A_360 = arith.select %eq3A_358, %jit3A_359, %jit3A_356 : i32
        %rem3A_361 = arith.remsi %add3A_331, %select_n3A_360 : i32
        %ne3A_362 = arith.constant 0 : i32
        %ne3A_363 = arith.cmpi ne, %rem3A_361, %ne3A_362 : i32
        %lt3A_364 = arith.constant 0 : i32
        %lt3A_365 = arith.cmpi slt, %rem3A_361, %lt3A_364 : i32
        %lt3A_366 = arith.constant 0 : i32
        %lt3A_367 = arith.cmpi slt, %select_n3A_360, %lt3A_366 : i32
        %ne3A_368 = arith.xori %lt3A_365, %lt3A_367 : i1
        %and3A_369 = arith.andi %ne3A_368, %ne3A_363 : i1
        %add3A_370 = arith.addi %rem3A_361, %select_n3A_360 : i32
        %select_n3A_371 = arith.select %and3A_369, %add3A_370, %rem3A_361 : i32
        %mul3A_372 = arith.constant 64 : i32
        %mul3A_373 = arith.muli %select_n3A_371, %mul3A_372 : i32
        %mul3A_374 = arith.constant 3 : i32
        %mul3A_375 = arith.muli %add3A, %mul3A_374 : i32
        %add3A_376 = arith.addi %mul3A_375, %select_n3A_355 : i32
        %jit3A_377 = arith.constant 3 : i32
        %div3A_378 = arith.divsi %add3A_376, %jit3A_377 : i32
        %sign3A_379 = arith.constant 0 : i32
        %sign3A_380 = arith.cmpi sgt, %add3A_376, %sign3A_379 : i32
        %sign3A_381 = arith.extui %sign3A_380 : i1 to i32
        %sign3A_382 = arith.constant 0 : i32
        %sign3A_383 = arith.cmpi slt, %add3A_376, %sign3A_382 : i32
        %sign3A_384 = arith.extui %sign3A_383 : i1 to i32
        %sign3A_385 = arith.subi %sign3A_381, %sign3A_384 : i32
        %sign3A_386 = arith.constant 0 : i32
        %sign3A_387 = arith.cmpi sgt, %jit3A_377, %sign3A_386 : i32
        %sign3A_388 = arith.extui %sign3A_387 : i1 to i32
        %sign3A_389 = arith.constant 0 : i32
        %sign3A_390 = arith.cmpi slt, %jit3A_377, %sign3A_389 : i32
        %sign3A_391 = arith.extui %sign3A_390 : i1 to i32
        %sign3A_392 = arith.subi %sign3A_388, %sign3A_391 : i32
        %ne3A_393 = arith.cmpi ne, %sign3A_385, %sign3A_392 : i32
        %rem3A_394 = arith.remsi %add3A_376, %jit3A_377 : i32
        %ne3A_395 = arith.constant 0 : i32
        %ne3A_396 = arith.cmpi ne, %rem3A_394, %ne3A_395 : i32
        %and3A_397 = arith.andi %ne3A_393, %ne3A_396 : i1
        %sub3A_398 = arith.constant 1 : i32
        %sub3A_399 = arith.subi %div3A_378, %sub3A_398 : i32
        %select_n3A_400 = arith.select %and3A_397, %sub3A_399, %div3A_378 : i32
        %jit3A_401 = arith.constant 3 : i32
        %eq3A_402 = arith.constant 0 : i32
        %eq3A_403 = arith.cmpi eq, %jit3A_401, %eq3A_402 : i32
        %jit3A_404 = arith.constant 1 : i32
        %select_n3A_405 = arith.select %eq3A_403, %jit3A_404, %jit3A_401 : i32
        %rem3A_406 = arith.remsi %add3A_376, %select_n3A_405 : i32
        %ne3A_407 = arith.constant 0 : i32
        %ne3A_408 = arith.cmpi ne, %rem3A_406, %ne3A_407 : i32
        %lt3A_409 = arith.constant 0 : i32
        %lt3A_410 = arith.cmpi slt, %rem3A_406, %lt3A_409 : i32
        %lt3A_411 = arith.constant 0 : i32
        %lt3A_412 = arith.cmpi slt, %select_n3A_405, %lt3A_411 : i32
        %ne3A_413 = arith.xori %lt3A_410, %lt3A_412 : i1
        %and3A_414 = arith.andi %ne3A_413, %ne3A_408 : i1
        %add3A_415 = arith.addi %rem3A_406, %select_n3A_405 : i32
        %select_n3A_416 = arith.select %and3A_414, %add3A_415, %rem3A_406 : i32
        %dma_start3A_417 = arith.constant 0 : i32
        %dma_start3A_418 = tpu.memref_slice %arg2[%select_n3A_400, %select_n3A_416, %mul3A_373, %dma_start3A_417] : memref<32x3x512x512xf32, #tpu.memory_space<hbm>> -> memref<1x1x64x512xf32, #tpu.memory_space<hbm>>
        %dma_start3A_419 = tpu.memref_squeeze %dma_start3A_418 : memref<1x1x64x512xf32, #tpu.memory_space<hbm>> -> memref<64x512xf32, #tpu.memory_space<hbm>>
        %dma_start3A_420 = arith.constant 0 : i32
        %dma_start3A_421 = tpu.memref_slice %arg2[%select_n3A_400, %select_n3A_416, %mul3A_373, %dma_start3A_420] : memref<32x3x512x512xf32, #tpu.memory_space<hbm>> -> memref<1x1x64x512xf32, #tpu.memory_space<hbm>>
        %dma_start3A_422 = tpu.memref_squeeze %dma_start3A_421 : memref<1x1x64x512xf32, #tpu.memory_space<hbm>> -> memref<64x512xf32, #tpu.memory_space<hbm>>
        tpu.enqueue_dma source(%dma_start3A_422 : memref<64x512xf32, #tpu.memory_space<hbm>>) target(%arg5 : memref<64x512xf32, #tpu.memory_space<vmem>>) target_semaphore(%arg8 : memref<!tpu.dma_semaphore, #tpu.memory_space<semaphore_mem>>)
      } else {
      }
      %dma_wait3A_276 = arith.constant 0 : i32
      %dma_wait3A_277 = arith.constant 0 : i32
      %dma_wait3A_278 = arith.constant 0 : i32
      %dma_wait3A_279 = arith.constant 0 : i32
      %dma_wait3A_280 = tpu.memref_slice %arg2[%dma_wait3A_276, %dma_wait3A_277, %dma_wait3A_278, %dma_wait3A_279] : memref<32x3x512x512xf32, #tpu.memory_space<hbm>> -> memref<1x1x64x512xf32, #tpu.memory_space<hbm>>
      %dma_wait3A_281 = tpu.memref_squeeze %dma_wait3A_280 : memref<1x1x64x512xf32, #tpu.memory_space<hbm>> -> memref<64x512xf32, #tpu.memory_space<hbm>>
      %dma_wait3A_282 = arith.constant 0 : i32
      %dma_wait3A_283 = arith.constant 0 : i32
      %dma_wait3A_284 = tpu.memref_slice %arg2[%dma_wait3A_276, %dma_wait3A_277, %dma_wait3A_282, %dma_wait3A_283] : memref<32x3x512x512xf32, #tpu.memory_space<hbm>> -> memref<1x1x64x512xf32, #tpu.memory_space<hbm>>
      %dma_wait3A_285 = tpu.memref_squeeze %dma_wait3A_284 : memref<1x1x64x512xf32, #tpu.memory_space<hbm>> -> memref<64x512xf32, #tpu.memory_space<hbm>>
      tpu.wait_dma2 semaphore(%arg9 : memref<!tpu.dma_semaphore, #tpu.memory_space<semaphore_mem>>) src(%dma_wait3A_285 : memref<64x512xf32, #tpu.memory_space<hbm>>) dst(%arg6 : memref<64x512xf32, #tpu.memory_space<vmem>>)
      %add3A_286 = arith.constant 1 : i32
      %add3A_287 = arith.addi %mul3A_228, %add3A_286 : i32
      %jit3A_288 = arith.constant 8 : i32
      %div3A_289 = arith.divsi %add3A_287, %jit3A_288 : i32
      %sign3A_290 = arith.constant 0 : i32
      %sign3A_291 = arith.cmpi sgt, %add3A_287, %sign3A_290 : i32
      %sign3A_292 = arith.extui %sign3A_291 : i1 to i32
      %sign3A_293 = arith.constant 0 : i32
      %sign3A_294 = arith.cmpi slt, %add3A_287, %sign3A_293 : i32
      %sign3A_295 = arith.extui %sign3A_294 : i1 to i32
      %sign3A_296 = arith.subi %sign3A_292, %sign3A_295 : i32
      %sign3A_297 = arith.constant 0 : i32
      %sign3A_298 = arith.cmpi sgt, %jit3A_288, %sign3A_297 : i32
      %sign3A_299 = arith.extui %sign3A_298 : i1 to i32
      %sign3A_300 = arith.constant 0 : i32
      %sign3A_301 = arith.cmpi slt, %jit3A_288, %sign3A_300 : i32
      %sign3A_302 = arith.extui %sign3A_301 : i1 to i32
      %sign3A_303 = arith.subi %sign3A_299, %sign3A_302 : i32
      %ne3A_304 = arith.cmpi ne, %sign3A_296, %sign3A_303 : i32
      %rem3A_305 = arith.remsi %add3A_287, %jit3A_288 : i32
      %ne3A_306 = arith.constant 0 : i32
      %ne3A_307 = arith.cmpi ne, %rem3A_305, %ne3A_306 : i32
      %and3A_308 = arith.andi %ne3A_304, %ne3A_307 : i1
      %sub3A_309 = arith.constant 1 : i32
      %sub3A_310 = arith.subi %div3A_289, %sub3A_309 : i32
      %select_n3A_311 = arith.select %and3A_308, %sub3A_310, %div3A_289 : i32
      %mul3A_312 = arith.constant 4096 : i32
      %mul3A_313 = arith.muli %select_n3A_311, %mul3A_312 : i32
      %add3A_314 = vector.broadcast %mul3A_313 : i32 to vector<16xi32>
      %add3A_315 = arith.addi %iota3A, %add3A_314 : vector<16xi32>
      %sub3A_316 = arith.constant 520192 : i32
      %sub3A_317 = vector.broadcast %sub3A_316 : i32 to vector<16xi32>
      %sub3A_318 = arith.subi %add3A_315, %sub3A_317 : vector<16xi32>
      %parallel_loop3A_319 = arith.constant 0 : i32
      %parallel_loop3A_320 = arith.constant 2048 : i32
      %parallel_loop3A_321 = arith.constant 1 : i32
      scf.for %parallel_loop3A_330 = %parallel_loop3A_319 to %parallel_loop3A_320 step %parallel_loop3A_321  : i32 {
        %parallel_loop3A_331 = arith.constant 32 : i32
        %parallel_loop3A_332 = arith.divsi %parallel_loop3A_330, %parallel_loop3A_331 : i32
        %parallel_loop3A_333 = arith.constant 0 : i32
        %parallel_loop3A_334 = arith.cmpi sgt, %parallel_loop3A_330, %parallel_loop3A_333 : i32
        %parallel_loop3A_335 = arith.extui %parallel_loop3A_334 : i1 to i32
        %parallel_loop3A_336 = arith.constant 0 : i32
        %parallel_loop3A_337 = arith.cmpi slt, %parallel_loop3A_330, %parallel_loop3A_336 : i32
        %parallel_loop3A_338 = arith.extui %parallel_loop3A_337 : i1 to i32
        %parallel_loop3A_339 = arith.subi %parallel_loop3A_335, %parallel_loop3A_338 : i32
        %parallel_loop3A_340 = arith.constant 0 : i32
        %parallel_loop3A_341 = arith.cmpi sgt, %parallel_loop3A_331, %parallel_loop3A_340 : i32
        %parallel_loop3A_342 = arith.extui %parallel_loop3A_341 : i1 to i32
        %parallel_loop3A_343 = arith.constant 0 : i32
        %parallel_loop3A_344 = arith.cmpi slt, %parallel_loop3A_331, %parallel_loop3A_343 : i32
        %parallel_loop3A_345 = arith.extui %parallel_loop3A_344 : i1 to i32
        %parallel_loop3A_346 = arith.subi %parallel_loop3A_342, %parallel_loop3A_345 : i32
        %parallel_loop3A_347 = arith.cmpi ne, %parallel_loop3A_339, %parallel_loop3A_346 : i32
        %parallel_loop3A_348 = arith.remsi %parallel_loop3A_330, %parallel_loop3A_331 : i32
        %parallel_loop3A_349 = arith.constant 0 : i32
        %parallel_loop3A_350 = arith.cmpi ne, %parallel_loop3A_348, %parallel_loop3A_349 : i32
        %parallel_loop3A_351 = arith.andi %parallel_loop3A_347, %parallel_loop3A_350 : i1
        %parallel_loop3A_352 = arith.constant 1 : i32
        %parallel_loop3A_353 = arith.subi %parallel_loop3A_332, %parallel_loop3A_352 : i32
        %parallel_loop3A_354 = arith.select %parallel_loop3A_351, %parallel_loop3A_353, %parallel_loop3A_332 : i32
        %parallel_loop3A_355 = arith.constant 32 : i32
        %parallel_loop3A_356 = arith.constant 0 : i32
        %parallel_loop3A_357 = arith.cmpi eq, %parallel_loop3A_355, %parallel_loop3A_356 : i32
        %parallel_loop3A_358 = arith.constant 1 : i32
        %parallel_loop3A_359 = arith.select %parallel_loop3A_357, %parallel_loop3A_358, %parallel_loop3A_355 : i32
        %parallel_loop3A_360 = arith.remsi %parallel_loop3A_330, %parallel_loop3A_359 : i32
        %parallel_loop3A_361 = arith.constant 0 : i32
        %parallel_loop3A_362 = arith.cmpi ne, %parallel_loop3A_360, %parallel_loop3A_361 : i32
        %parallel_loop3A_363 = arith.constant 0 : i32
        %parallel_loop3A_364 = arith.cmpi slt, %parallel_loop3A_360, %parallel_loop3A_363 : i32
        %parallel_loop3A_365 = arith.constant 0 : i32
        %parallel_loop3A_366 = arith.cmpi slt, %parallel_loop3A_359, %parallel_loop3A_365 : i32
        %parallel_loop3A_367 = arith.xori %parallel_loop3A_364, %parallel_loop3A_366 : i1
        %parallel_loop3A_368 = arith.andi %parallel_loop3A_367, %parallel_loop3A_362 : i1
        %parallel_loop3A_369 = arith.addi %parallel_loop3A_360, %parallel_loop3A_359 : i32
        %parallel_loop3A_370 = arith.select %parallel_loop3A_368, %parallel_loop3A_369, %parallel_loop3A_360 : i32
        %parallel_loop3A_371 = arith.constant 16 : i32
        %parallel_loop3A_372 = arith.muli %parallel_loop3A_370, %parallel_loop3A_371 : i32
        %parallel_loop3A_373 = arith.index_cast %parallel_loop3A_354 : i32 to index
        %parallel_loop3A_374 = arith.index_cast %parallel_loop3A_372 : i32 to index
        %parallel_loop3A_375 = tpu.vector_load %arg6[%parallel_loop3A_373, %parallel_loop3A_374] {strides = array<i32>} : memref<64x512xf32, #tpu.memory_space<vmem>>, vector<16xf32>,
        %parallel_loop3A_376 = arith.constant 1.000000e+00 : f32
        %parallel_loop3A_377 = vector.broadcast %parallel_loop3A_376 : f32 to vector<16xf32>
        %parallel_loop3A_378 = arith.addf %parallel_loop3A_375, %parallel_loop3A_377 : vector<16xf32>
        %parallel_loop3A_379 = vector.bitcast %parallel_loop3A_378 : vector<16xf32> to vector<16xi32>
        %parallel_loop3A_380 = arith.constant 11 : i32
        %parallel_loop3A_381 = vector.broadcast %parallel_loop3A_380 : i32 to vector<16xi32>
        %parallel_loop3A_382 = arith.shrui %parallel_loop3A_379, %parallel_loop3A_381 : vector<16xi32>
        %parallel_loop3A_383 = arith.constant -16 : i32
        %parallel_loop3A_384 = vector.broadcast %parallel_loop3A_383 : i32 to vector<16xi32>
        %parallel_loop3A_385 = arith.andi %parallel_loop3A_382, %parallel_loop3A_384 : vector<16xi32>
        %parallel_loop3A_386 = arith.addi %parallel_loop3A_385, %sub3A_318 : vector<16xi32>
        tpu.vector_store_idx %arg7[%parallel_loop3A_386], %broadcast_in_dim3A_7 {add = true} : memref<12288xf32, #tpu.memory_space<vmem>>[vector<16xi32>], vector<16xf32>,
      } {sc.loop_unroll_factor = 16 : i64, sc.parallel_access}
      %add3A_322 = arith.constant 3 : i32
      %add3A_323 = arith.addi %mul3A_228, %add3A_322 : i32
      %lt3A_324 = arith.constant 24 : i32
      %lt3A_325 = arith.cmpi slt, %add3A_323, %lt3A_324 : i32
      %convert_element_type3A_326 = arith.extui %lt3A_325 : i1 to i32
      %cond3A_327 = arith.constant 0 : i32
      %cond3A_328 = arith.cmpi ne, %convert_element_type3A_326, %cond3A_327 : i32
      scf.if %cond3A_328 {
        %add3A_330 = arith.constant 3 : i32
        %add3A_331 = arith.addi %mul3A_228, %add3A_330 : i32
        %jit3A_332 = arith.constant 8 : i32
        %div3A_333 = arith.divsi %add3A_331, %jit3A_332 : i32
        %sign3A_334 = arith.constant 0 : i32
        %sign3A_335 = arith.cmpi sgt, %add3A_331, %sign3A_334 : i32
        %sign3A_336 = arith.extui %sign3A_335 : i1 to i32
        %sign3A_337 = arith.constant 0 : i32
        %sign3A_338 = arith.cmpi slt, %add3A_331, %sign3A_337 : i32
        %sign3A_339 = arith.extui %sign3A_338 : i1 to i32
        %sign3A_340 = arith.subi %sign3A_336, %sign3A_339 : i32
        %sign3A_341 = arith.constant 0 : i32
        %sign3A_342 = arith.cmpi sgt, %jit3A_332, %sign3A_341 : i32
        %sign3A_343 = arith.extui %sign3A_342 : i1 to i32
        %sign3A_344 = arith.constant 0 : i32
        %sign3A_345 = arith.cmpi slt, %jit3A_332, %sign3A_344 : i32
        %sign3A_346 = arith.extui %sign3A_345 : i1 to i32
        %sign3A_347 = arith.subi %sign3A_343, %sign3A_346 : i32
        %ne3A_348 = arith.cmpi ne, %sign3A_340, %sign3A_347 : i32
        %rem3A_349 = arith.remsi %add3A_331, %jit3A_332 : i32
        %ne3A_350 = arith.constant 0 : i32
        %ne3A_351 = arith.cmpi ne, %rem3A_349, %ne3A_350 : i32
        %and3A_352 = arith.andi %ne3A_348, %ne3A_351 : i1
        %sub3A_353 = arith.constant 1 : i32
        %sub3A_354 = arith.subi %div3A_333, %sub3A_353 : i32
        %select_n3A_355 = arith.select %and3A_352, %sub3A_354, %div3A_333 : i32
        %jit3A_356 = arith.constant 8 : i32
        %eq3A_357 = arith.constant 0 : i32
        %eq3A_358 = arith.cmpi eq, %jit3A_356, %eq3A_357 : i32
        %jit3A_359 = arith.constant 1 : i32
        %select_n3A_360 = arith.select %eq3A_358, %jit3A_359, %jit3A_356 : i32
        %rem3A_361 = arith.remsi %add3A_331, %select_n3A_360 : i32
        %ne3A_362 = arith.constant 0 : i32
        %ne3A_363 = arith.cmpi ne, %rem3A_361, %ne3A_362 : i32
        %lt3A_364 = arith.constant 0 : i32
        %lt3A_365 = arith.cmpi slt, %rem3A_361, %lt3A_364 : i32
        %lt3A_366 = arith.constant 0 : i32
        %lt3A_367 = arith.cmpi slt, %select_n3A_360, %lt3A_366 : i32
        %ne3A_368 = arith.xori %lt3A_365, %lt3A_367 : i1
        %and3A_369 = arith.andi %ne3A_368, %ne3A_363 : i1
        %add3A_370 = arith.addi %rem3A_361, %select_n3A_360 : i32
        %select_n3A_371 = arith.select %and3A_369, %add3A_370, %rem3A_361 : i32
        %mul3A_372 = arith.constant 64 : i32
        %mul3A_373 = arith.muli %select_n3A_371, %mul3A_372 : i32
        %mul3A_374 = arith.constant 3 : i32
        %mul3A_375 = arith.muli %add3A, %mul3A_374 : i32
        %add3A_376 = arith.addi %mul3A_375, %select_n3A_355 : i32
        %jit3A_377 = arith.constant 3 : i32
        %div3A_378 = arith.divsi %add3A_376, %jit3A_377 : i32
        %sign3A_379 = arith.constant 0 : i32
        %sign3A_380 = arith.cmpi sgt, %add3A_376, %sign3A_379 : i32
        %sign3A_381 = arith.extui %sign3A_380 : i1 to i32
        %sign3A_382 = arith.constant 0 : i32
        %sign3A_383 = arith.cmpi slt, %add3A_376, %sign3A_382 : i32
        %sign3A_384 = arith.extui %sign3A_383 : i1 to i32
        %sign3A_385 = arith.subi %sign3A_381, %sign3A_384 : i32
        %sign3A_386 = arith.constant 0 : i32
        %sign3A_387 = arith.cmpi sgt, %jit3A_377, %sign3A_386 : i32
        %sign3A_388 = arith.extui %sign3A_387 : i1 to i32
        %sign3A_389 = arith.constant 0 : i32
        %sign3A_390 = arith.cmpi slt, %jit3A_377, %sign3A_389 : i32
        %sign3A_391 = arith.extui %sign3A_390 : i1 to i32
        %sign3A_392 = arith.subi %sign3A_388, %sign3A_391 : i32
        %ne3A_393 = arith.cmpi ne, %sign3A_385, %sign3A_392 : i32
        %rem3A_394 = arith.remsi %add3A_376, %jit3A_377 : i32
        %ne3A_395 = arith.constant 0 : i32
        %ne3A_396 = arith.cmpi ne, %rem3A_394, %ne3A_395 : i32
        %and3A_397 = arith.andi %ne3A_393, %ne3A_396 : i1
        %sub3A_398 = arith.constant 1 : i32
        %sub3A_399 = arith.subi %div3A_378, %sub3A_398 : i32
        %select_n3A_400 = arith.select %and3A_397, %sub3A_399, %div3A_378 : i32
        %jit3A_401 = arith.constant 3 : i32
        %eq3A_402 = arith.constant 0 : i32
        %eq3A_403 = arith.cmpi eq, %jit3A_401, %eq3A_402 : i32
        %jit3A_404 = arith.constant 1 : i32
        %select_n3A_405 = arith.select %eq3A_403, %jit3A_404, %jit3A_401 : i32
        %rem3A_406 = arith.remsi %add3A_376, %select_n3A_405 : i32
        %ne3A_407 = arith.constant 0 : i32
        %ne3A_408 = arith.cmpi ne, %rem3A_406, %ne3A_407 : i32
        %lt3A_409 = arith.constant 0 : i32
        %lt3A_410 = arith.cmpi slt, %rem3A_406, %lt3A_409 : i32
        %lt3A_411 = arith.constant 0 : i32
        %lt3A_412 = arith.cmpi slt, %select_n3A_405, %lt3A_411 : i32
        %ne3A_413 = arith.xori %lt3A_410, %lt3A_412 : i1
        %and3A_414 = arith.andi %ne3A_413, %ne3A_408 : i1
        %add3A_415 = arith.addi %rem3A_406, %select_n3A_405 : i32
        %select_n3A_416 = arith.select %and3A_414, %add3A_415, %rem3A_406 : i32
        %dma_start3A_417 = arith.constant 0 : i32
        %dma_start3A_418 = tpu.memref_slice %arg2[%select_n3A_400, %select_n3A_416, %mul3A_373, %dma_start3A_417] : memref<32x3x512x512xf32, #tpu.memory_space<hbm>> -> memref<1x1x64x512xf32, #tpu.memory_space<hbm>>
        %dma_start3A_419 = tpu.memref_squeeze %dma_start3A_418 : memref<1x1x64x512xf32, #tpu.memory_space<hbm>> -> memref<64x512xf32, #tpu.memory_space<hbm>>
        %dma_start3A_420 = arith.constant 0 : i32
        %dma_start3A_421 = tpu.memref_slice %arg2[%select_n3A_400, %select_n3A_416, %mul3A_373, %dma_start3A_420] : memref<32x3x512x512xf32, #tpu.memory_space<hbm>> -> memref<1x1x64x512xf32, #tpu.memory_space<hbm>>
        %dma_start3A_422 = tpu.memref_squeeze %dma_start3A_421 : memref<1x1x64x512xf32, #tpu.memory_space<hbm>> -> memref<64x512xf32, #tpu.memory_space<hbm>>
        tpu.enqueue_dma source(%dma_start3A_422 : memref<64x512xf32, #tpu.memory_space<hbm>>) target(%arg6 : memref<64x512xf32, #tpu.memory_space<vmem>>) target_semaphore(%arg9 : memref<!tpu.dma_semaphore, #tpu.memory_space<semaphore_mem>>)
      } else {
      }
      %scan3A_329 = arith.constant 0 : i32
      scf.yield %scan3A_329 : i32
    }
    %scan3A_107 = arith.constant 12 : i32
    %broadcast_in_dim3A_108 = arith.constant -1.000000e+00 : f32
    %broadcast_in_dim3A_109 = vector.broadcast %broadcast_in_dim3A_108 : f32 to vector<16xf32>
    %mul3A_110 = arith.constant 3 : i32
    %mul3A_111 = arith.muli %add3A, %mul3A_110 : i32
    %add3A_112 = arith.constant 0 : i32
    %add3A_113 = arith.addi %mul3A_111, %add3A_112 : i32
    %jit3A_114 = arith.constant 3 : i32
    %div3A_115 = arith.divsi %add3A_113, %jit3A_114 : i32
    %sign3A_116 = arith.constant 0 : i32
    %sign3A_117 = arith.cmpi sgt, %add3A_113, %sign3A_116 : i32
    %sign3A_118 = arith.extui %sign3A_117 : i1 to i32
    %sign3A_119 = arith.constant 0 : i32
    %sign3A_120 = arith.cmpi slt, %add3A_113, %sign3A_119 : i32
    %sign3A_121 = arith.extui %sign3A_120 : i1 to i32
    %sign3A_122 = arith.subi %sign3A_118, %sign3A_121 : i32
    %sign3A_123 = arith.constant 0 : i32
    %sign3A_124 = arith.cmpi sgt, %jit3A_114, %sign3A_123 : i32
    %sign3A_125 = arith.extui %sign3A_124 : i1 to i32
    %sign3A_126 = arith.constant 0 : i32
    %sign3A_127 = arith.cmpi slt, %jit3A_114, %sign3A_126 : i32
    %sign3A_128 = arith.extui %sign3A_127 : i1 to i32
    %sign3A_129 = arith.subi %sign3A_125, %sign3A_128 : i32
    %ne3A_130 = arith.cmpi ne, %sign3A_122, %sign3A_129 : i32
    %rem3A_131 = arith.remsi %add3A_113, %jit3A_114 : i32
    %ne3A_132 = arith.constant 0 : i32
    %ne3A_133 = arith.cmpi ne, %rem3A_131, %ne3A_132 : i32
    %and3A_134 = arith.andi %ne3A_130, %ne3A_133 : i1
    %sub3A_135 = arith.constant 1 : i32
    %sub3A_136 = arith.subi %div3A_115, %sub3A_135 : i32
    %select_n3A_137 = arith.select %and3A_134, %sub3A_136, %div3A_115 : i32
    %jit3A_138 = arith.constant 3 : i32
    %eq3A_139 = arith.constant 0 : i32
    %eq3A_140 = arith.cmpi eq, %jit3A_138, %eq3A_139 : i32
    %jit3A_141 = arith.constant 1 : i32
    %select_n3A_142 = arith.select %eq3A_140, %jit3A_141, %jit3A_138 : i32
    %rem3A_143 = arith.remsi %add3A_113, %select_n3A_142 : i32
    %ne3A_144 = arith.constant 0 : i32
    %ne3A_145 = arith.cmpi ne, %rem3A_143, %ne3A_144 : i32
    %lt3A_146 = arith.constant 0 : i32
    %lt3A_147 = arith.cmpi slt, %rem3A_143, %lt3A_146 : i32
    %lt3A_148 = arith.constant 0 : i32
    %lt3A_149 = arith.cmpi slt, %select_n3A_142, %lt3A_148 : i32
    %ne3A_150 = arith.xori %lt3A_147, %lt3A_149 : i1
    %and3A_151 = arith.andi %ne3A_150, %ne3A_145 : i1
    %add3A_152 = arith.addi %rem3A_143, %select_n3A_142 : i32
    %select_n3A_153 = arith.select %and3A_151, %add3A_152, %rem3A_143 : i32
    %dma_start3A_154 = arith.constant 0 : i32
    %dma_start3A_155 = arith.constant 0 : i32
    %dma_start3A_156 = tpu.memref_slice %arg3[%select_n3A_137, %select_n3A_153, %dma_start3A_154, %dma_start3A_155] : memref<32x3x512x512xf32, #tpu.memory_space<hbm>> -> memref<1x1x64x512xf32, #tpu.memory_space<hbm>>
    %dma_start3A_157 = tpu.memref_squeeze %dma_start3A_156 : memref<1x1x64x512xf32, #tpu.memory_space<hbm>> -> memref<64x512xf32, #tpu.memory_space<hbm>>
    %dma_start3A_158 = arith.constant 0 : i32
    %dma_start3A_159 = arith.constant 0 : i32
    %dma_start3A_160 = tpu.memref_slice %arg3[%select_n3A_137, %select_n3A_153, %dma_start3A_158, %dma_start3A_159] : memref<32x3x512x512xf32, #tpu.memory_space<hbm>> -> memref<1x1x64x512xf32, #tpu.memory_space<hbm>>
    %dma_start3A_161 = tpu.memref_squeeze %dma_start3A_160 : memref<1x1x64x512xf32, #tpu.memory_space<hbm>> -> memref<64x512xf32, #tpu.memory_space<hbm>>
    tpu.enqueue_dma source(%dma_start3A_161 : memref<64x512xf32, #tpu.memory_space<hbm>>) target(%arg5 : memref<64x512xf32, #tpu.memory_space<vmem>>) target_semaphore(%arg8 : memref<!tpu.dma_semaphore, #tpu.memory_space<semaphore_mem>>)
    %mul3A_162 = arith.constant 3 : i32
    %mul3A_163 = arith.muli %add3A, %mul3A_162 : i32
    %add3A_164 = arith.constant 0 : i32
    %add3A_165 = arith.addi %mul3A_163, %add3A_164 : i32
    %jit3A_166 = arith.constant 3 : i32
    %div3A_167 = arith.divsi %add3A_165, %jit3A_166 : i32
    %sign3A_168 = arith.constant 0 : i32
    %sign3A_169 = arith.cmpi sgt, %add3A_165, %sign3A_168 : i32
    %sign3A_170 = arith.extui %sign3A_169 : i1 to i32
    %sign3A_171 = arith.constant 0 : i32
    %sign3A_172 = arith.cmpi slt, %add3A_165, %sign3A_171 : i32
    %sign3A_173 = arith.extui %sign3A_172 : i1 to i32
    %sign3A_174 = arith.subi %sign3A_170, %sign3A_173 : i32
    %sign3A_175 = arith.constant 0 : i32
    %sign3A_176 = arith.cmpi sgt, %jit3A_166, %sign3A_175 : i32
    %sign3A_177 = arith.extui %sign3A_176 : i1 to i32
    %sign3A_178 = arith.constant 0 : i32
    %sign3A_179 = arith.cmpi slt, %jit3A_166, %sign3A_178 : i32
    %sign3A_180 = arith.extui %sign3A_179 : i1 to i32
    %sign3A_181 = arith.subi %sign3A_177, %sign3A_180 : i32
    %ne3A_182 = arith.cmpi ne, %sign3A_174, %sign3A_181 : i32
    %rem3A_183 = arith.remsi %add3A_165, %jit3A_166 : i32
    %ne3A_184 = arith.constant 0 : i32
    %ne3A_185 = arith.cmpi ne, %rem3A_183, %ne3A_184 : i32
    %and3A_186 = arith.andi %ne3A_182, %ne3A_185 : i1
    %sub3A_187 = arith.constant 1 : i32
    %sub3A_188 = arith.subi %div3A_167, %sub3A_187 : i32
    %select_n3A_189 = arith.select %and3A_186, %sub3A_188, %div3A_167 : i32
    %jit3A_190 = arith.constant 3 : i32
    %eq3A_191 = arith.constant 0 : i32
    %eq3A_192 = arith.cmpi eq, %jit3A_190, %eq3A_191 : i32
    %jit3A_193 = arith.constant 1 : i32
    %select_n3A_194 = arith.select %eq3A_192, %jit3A_193, %jit3A_190 : i32
    %rem3A_195 = arith.remsi %add3A_165, %select_n3A_194 : i32
    %ne3A_196 = arith.constant 0 : i32
    %ne3A_197 = arith.cmpi ne, %rem3A_195, %ne3A_196 : i32
    %lt3A_198 = arith.constant 0 : i32
    %lt3A_199 = arith.cmpi slt, %rem3A_195, %lt3A_198 : i32
    %lt3A_200 = arith.constant 0 : i32
    %lt3A_201 = arith.cmpi slt, %select_n3A_194, %lt3A_200 : i32
    %ne3A_202 = arith.xori %lt3A_199, %lt3A_201 : i1
    %and3A_203 = arith.andi %ne3A_202, %ne3A_197 : i1
    %add3A_204 = arith.addi %rem3A_195, %select_n3A_194 : i32
    %select_n3A_205 = arith.select %and3A_203, %add3A_204, %rem3A_195 : i32
    %dma_start3A_206 = arith.constant 64 : i32
    %dma_start3A_207 = arith.constant 0 : i32
    %dma_start3A_208 = tpu.memref_slice %arg3[%select_n3A_189, %select_n3A_205, %dma_start3A_206, %dma_start3A_207] : memref<32x3x512x512xf32, #tpu.memory_space<hbm>> -> memref<1x1x64x512xf32, #tpu.memory_space<hbm>>
    %dma_start3A_209 = tpu.memref_squeeze %dma_start3A_208 : memref<1x1x64x512xf32, #tpu.memory_space<hbm>> -> memref<64x512xf32, #tpu.memory_space<hbm>>
    %dma_start3A_210 = arith.constant 64 : i32
    %dma_start3A_211 = arith.constant 0 : i32
    %dma_start3A_212 = tpu.memref_slice %arg3[%select_n3A_189, %select_n3A_205, %dma_start3A_210, %dma_start3A_211] : memref<32x3x512x512xf32, #tpu.memory_space<hbm>> -> memref<1x1x64x512xf32, #tpu.memory_space<hbm>>
    %dma_start3A_213 = tpu.memref_squeeze %dma_start3A_212 : memref<1x1x64x512xf32, #tpu.memory_space<hbm>> -> memref<64x512xf32, #tpu.memory_space<hbm>>
    tpu.enqueue_dma source(%dma_start3A_213 : memref<64x512xf32, #tpu.memory_space<hbm>>) target(%arg6 : memref<64x512xf32, #tpu.memory_space<vmem>>) target_semaphore(%arg9 : memref<!tpu.dma_semaphore, #tpu.memory_space<semaphore_mem>>)
    %scan3A_214 = arith.constant 0 : i32
    %scan3A_215 = arith.constant 0 : i32
    %scan3A_216 = arith.constant 12 : i32
    %scan3A_217 = arith.addi %scan3A_215, %scan3A_216 : i32
    %scan3A_218 = arith.constant 1 : i32
    %scan3A_219 = scf.for %scan3A_225 = %scan3A_215 to %scan3A_217 step %scan3A_218 iter_args(%scan3A_226 = %scan3A_214) -> (i32)  : i32 {
      %mul3A_227 = arith.constant 2 : i32
      %mul3A_228 = arith.muli %mul3A_227, %scan3A_225 : i32
      %dma_wait3A = arith.constant 0 : i32
      %dma_wait3A_229 = arith.constant 0 : i32
      %dma_wait3A_230 = arith.constant 0 : i32
      %dma_wait3A_231 = arith.constant 0 : i32
      %dma_wait3A_232 = tpu.memref_slice %arg3[%dma_wait3A, %dma_wait3A_229, %dma_wait3A_230, %dma_wait3A_231] : memref<32x3x512x512xf32, #tpu.memory_space<hbm>> -> memref<1x1x64x512xf32, #tpu.memory_space<hbm>>
      %dma_wait3A_233 = tpu.memref_squeeze %dma_wait3A_232 : memref<1x1x64x512xf32, #tpu.memory_space<hbm>> -> memref<64x512xf32, #tpu.memory_space<hbm>>
      %dma_wait3A_234 = arith.constant 0 : i32
      %dma_wait3A_235 = arith.constant 0 : i32
      %dma_wait3A_236 = tpu.memref_slice %arg3[%dma_wait3A, %dma_wait3A_229, %dma_wait3A_234, %dma_wait3A_235] : memref<32x3x512x512xf32, #tpu.memory_space<hbm>> -> memref<1x1x64x512xf32, #tpu.memory_space<hbm>>
      %dma_wait3A_237 = tpu.memref_squeeze %dma_wait3A_236 : memref<1x1x64x512xf32, #tpu.memory_space<hbm>> -> memref<64x512xf32, #tpu.memory_space<hbm>>
      tpu.wait_dma2 semaphore(%arg8 : memref<!tpu.dma_semaphore, #tpu.memory_space<semaphore_mem>>) src(%dma_wait3A_237 : memref<64x512xf32, #tpu.memory_space<hbm>>) dst(%arg5 : memref<64x512xf32, #tpu.memory_space<vmem>>)
      %jit3A_238 = arith.constant 8 : i32
      %div3A_239 = arith.divsi %mul3A_228, %jit3A_238 : i32
      %sign3A_240 = arith.constant 0 : i32
      %sign3A_241 = arith.cmpi sgt, %mul3A_228, %sign3A_240 : i32
      %sign3A_242 = arith.extui %sign3A_241 : i1 to i32
      %sign3A_243 = arith.constant 0 : i32
      %sign3A_244 = arith.cmpi slt, %mul3A_228, %sign3A_243 : i32
      %sign3A_245 = arith.extui %sign3A_244 : i1 to i32
      %sign3A_246 = arith.subi %sign3A_242, %sign3A_245 : i32
      %sign3A_247 = arith.constant 0 : i32
      %sign3A_248 = arith.cmpi sgt, %jit3A_238, %sign3A_247 : i32
      %sign3A_249 = arith.extui %sign3A_248 : i1 to i32
      %sign3A_250 = arith.constant 0 : i32
      %sign3A_251 = arith.cmpi slt, %jit3A_238, %sign3A_250 : i32
      %sign3A_252 = arith.extui %sign3A_251 : i1 to i32
      %sign3A_253 = arith.subi %sign3A_249, %sign3A_252 : i32
      %ne3A_254 = arith.cmpi ne, %sign3A_246, %sign3A_253 : i32
      %rem3A_255 = arith.remsi %mul3A_228, %jit3A_238 : i32
      %ne3A_256 = arith.constant 0 : i32
      %ne3A_257 = arith.cmpi ne, %rem3A_255, %ne3A_256 : i32
      %and3A_258 = arith.andi %ne3A_254, %ne3A_257 : i1
      %sub3A_259 = arith.constant 1 : i32
      %sub3A_260 = arith.subi %div3A_239, %sub3A_259 : i32
      %select_n3A_261 = arith.select %and3A_258, %sub3A_260, %div3A_239 : i32
      %mul3A_262 = arith.constant 4096 : i32
      %mul3A_263 = arith.muli %select_n3A_261, %mul3A_262 : i32
      %add3A_264 = vector.broadcast %mul3A_263 : i32 to vector<16xi32>
      %add3A_265 = arith.addi %iota3A, %add3A_264 : vector<16xi32>
      %sub3A_266 = arith.constant 520192 : i32
      %sub3A_267 = vector.broadcast %sub3A_266 : i32 to vector<16xi32>
      %sub3A_268 = arith.subi %add3A_265, %sub3A_267 : vector<16xi32>
      %parallel_loop3A = arith.constant 0 : i32
      %parallel_loop3A_269 = arith.constant 2048 : i32
      %parallel_loop3A_270 = arith.constant 1 : i32
      scf.for %parallel_loop3A_330 = %parallel_loop3A to %parallel_loop3A_269 step %parallel_loop3A_270  : i32 {
        %parallel_loop3A_331 = arith.constant 32 : i32
        %parallel_loop3A_332 = arith.divsi %parallel_loop3A_330, %parallel_loop3A_331 : i32
        %parallel_loop3A_333 = arith.constant 0 : i32
        %parallel_loop3A_334 = arith.cmpi sgt, %parallel_loop3A_330, %parallel_loop3A_333 : i32
        %parallel_loop3A_335 = arith.extui %parallel_loop3A_334 : i1 to i32
        %parallel_loop3A_336 = arith.constant 0 : i32
        %parallel_loop3A_337 = arith.cmpi slt, %parallel_loop3A_330, %parallel_loop3A_336 : i32
        %parallel_loop3A_338 = arith.extui %parallel_loop3A_337 : i1 to i32
        %parallel_loop3A_339 = arith.subi %parallel_loop3A_335, %parallel_loop3A_338 : i32
        %parallel_loop3A_340 = arith.constant 0 : i32
        %parallel_loop3A_341 = arith.cmpi sgt, %parallel_loop3A_331, %parallel_loop3A_340 : i32
        %parallel_loop3A_342 = arith.extui %parallel_loop3A_341 : i1 to i32
        %parallel_loop3A_343 = arith.constant 0 : i32
        %parallel_loop3A_344 = arith.cmpi slt, %parallel_loop3A_331, %parallel_loop3A_343 : i32
        %parallel_loop3A_345 = arith.extui %parallel_loop3A_344 : i1 to i32
        %parallel_loop3A_346 = arith.subi %parallel_loop3A_342, %parallel_loop3A_345 : i32
        %parallel_loop3A_347 = arith.cmpi ne, %parallel_loop3A_339, %parallel_loop3A_346 : i32
        %parallel_loop3A_348 = arith.remsi %parallel_loop3A_330, %parallel_loop3A_331 : i32
        %parallel_loop3A_349 = arith.constant 0 : i32
        %parallel_loop3A_350 = arith.cmpi ne, %parallel_loop3A_348, %parallel_loop3A_349 : i32
        %parallel_loop3A_351 = arith.andi %parallel_loop3A_347, %parallel_loop3A_350 : i1
        %parallel_loop3A_352 = arith.constant 1 : i32
        %parallel_loop3A_353 = arith.subi %parallel_loop3A_332, %parallel_loop3A_352 : i32
        %parallel_loop3A_354 = arith.select %parallel_loop3A_351, %parallel_loop3A_353, %parallel_loop3A_332 : i32
        %parallel_loop3A_355 = arith.constant 32 : i32
        %parallel_loop3A_356 = arith.constant 0 : i32
        %parallel_loop3A_357 = arith.cmpi eq, %parallel_loop3A_355, %parallel_loop3A_356 : i32
        %parallel_loop3A_358 = arith.constant 1 : i32
        %parallel_loop3A_359 = arith.select %parallel_loop3A_357, %parallel_loop3A_358, %parallel_loop3A_355 : i32
        %parallel_loop3A_360 = arith.remsi %parallel_loop3A_330, %parallel_loop3A_359 : i32
        %parallel_loop3A_361 = arith.constant 0 : i32
        %parallel_loop3A_362 = arith.cmpi ne, %parallel_loop3A_360, %parallel_loop3A_361 : i32
        %parallel_loop3A_363 = arith.constant 0 : i32
        %parallel_loop3A_364 = arith.cmpi slt, %parallel_loop3A_360, %parallel_loop3A_363 : i32
        %parallel_loop3A_365 = arith.constant 0 : i32
        %parallel_loop3A_366 = arith.cmpi slt, %parallel_loop3A_359, %parallel_loop3A_365 : i32
        %parallel_loop3A_367 = arith.xori %parallel_loop3A_364, %parallel_loop3A_366 : i1
        %parallel_loop3A_368 = arith.andi %parallel_loop3A_367, %parallel_loop3A_362 : i1
        %parallel_loop3A_369 = arith.addi %parallel_loop3A_360, %parallel_loop3A_359 : i32
        %parallel_loop3A_370 = arith.select %parallel_loop3A_368, %parallel_loop3A_369, %parallel_loop3A_360 : i32
        %parallel_loop3A_371 = arith.constant 16 : i32
        %parallel_loop3A_372 = arith.muli %parallel_loop3A_370, %parallel_loop3A_371 : i32
        %parallel_loop3A_373 = arith.index_cast %parallel_loop3A_354 : i32 to index
        %parallel_loop3A_374 = arith.index_cast %parallel_loop3A_372 : i32 to index
        %parallel_loop3A_375 = tpu.vector_load %arg5[%parallel_loop3A_373, %parallel_loop3A_374] {strides = array<i32>} : memref<64x512xf32, #tpu.memory_space<vmem>>, vector<16xf32>,
        %parallel_loop3A_376 = arith.constant 1.000000e+00 : f32
        %parallel_loop3A_377 = vector.broadcast %parallel_loop3A_376 : f32 to vector<16xf32>
        %parallel_loop3A_378 = arith.addf %parallel_loop3A_375, %parallel_loop3A_377 : vector<16xf32>
        %parallel_loop3A_379 = vector.bitcast %parallel_loop3A_378 : vector<16xf32> to vector<16xi32>
        %parallel_loop3A_380 = arith.constant 11 : i32
        %parallel_loop3A_381 = vector.broadcast %parallel_loop3A_380 : i32 to vector<16xi32>
        %parallel_loop3A_382 = arith.shrui %parallel_loop3A_379, %parallel_loop3A_381 : vector<16xi32>
        %parallel_loop3A_383 = arith.constant -16 : i32
        %parallel_loop3A_384 = vector.broadcast %parallel_loop3A_383 : i32 to vector<16xi32>
        %parallel_loop3A_385 = arith.andi %parallel_loop3A_382, %parallel_loop3A_384 : vector<16xi32>
        %parallel_loop3A_386 = arith.addi %parallel_loop3A_385, %sub3A_268 : vector<16xi32>
        tpu.vector_store_idx %arg7[%parallel_loop3A_386], %broadcast_in_dim3A_109 {add = true} : memref<12288xf32, #tpu.memory_space<vmem>>[vector<16xi32>], vector<16xf32>,
      } {sc.loop_unroll_factor = 16 : i64, sc.parallel_access}
      %add3A_271 = arith.constant 2 : i32
      %add3A_272 = arith.addi %mul3A_228, %add3A_271 : i32
      %lt3A_273 = arith.constant 24 : i32
      %lt3A_274 = arith.cmpi slt, %add3A_272, %lt3A_273 : i32
      %convert_element_type3A = arith.extui %lt3A_274 : i1 to i32
      %cond3A = arith.constant 0 : i32
      %cond3A_275 = arith.cmpi ne, %convert_element_type3A, %cond3A : i32
      scf.if %cond3A_275 {
        %add3A_330 = arith.constant 2 : i32
        %add3A_331 = arith.addi %mul3A_228, %add3A_330 : i32
        %jit3A_332 = arith.constant 8 : i32
        %div3A_333 = arith.divsi %add3A_331, %jit3A_332 : i32
        %sign3A_334 = arith.constant 0 : i32
        %sign3A_335 = arith.cmpi sgt, %add3A_331, %sign3A_334 : i32
        %sign3A_336 = arith.extui %sign3A_335 : i1 to i32
        %sign3A_337 = arith.constant 0 : i32
        %sign3A_338 = arith.cmpi slt, %add3A_331, %sign3A_337 : i32
        %sign3A_339 = arith.extui %sign3A_338 : i1 to i32
        %sign3A_340 = arith.subi %sign3A_336, %sign3A_339 : i32
        %sign3A_341 = arith.constant 0 : i32
        %sign3A_342 = arith.cmpi sgt, %jit3A_332, %sign3A_341 : i32
        %sign3A_343 = arith.extui %sign3A_342 : i1 to i32
        %sign3A_344 = arith.constant 0 : i32
        %sign3A_345 = arith.cmpi slt, %jit3A_332, %sign3A_344 : i32
        %sign3A_346 = arith.extui %sign3A_345 : i1 to i32
        %sign3A_347 = arith.subi %sign3A_343, %sign3A_346 : i32
        %ne3A_348 = arith.cmpi ne, %sign3A_340, %sign3A_347 : i32
        %rem3A_349 = arith.remsi %add3A_331, %jit3A_332 : i32
        %ne3A_350 = arith.constant 0 : i32
        %ne3A_351 = arith.cmpi ne, %rem3A_349, %ne3A_350 : i32
        %and3A_352 = arith.andi %ne3A_348, %ne3A_351 : i1
        %sub3A_353 = arith.constant 1 : i32
        %sub3A_354 = arith.subi %div3A_333, %sub3A_353 : i32
        %select_n3A_355 = arith.select %and3A_352, %sub3A_354, %div3A_333 : i32
        %jit3A_356 = arith.constant 8 : i32
        %eq3A_357 = arith.constant 0 : i32
        %eq3A_358 = arith.cmpi eq, %jit3A_356, %eq3A_357 : i32
        %jit3A_359 = arith.constant 1 : i32
        %select_n3A_360 = arith.select %eq3A_358, %jit3A_359, %jit3A_356 : i32
        %rem3A_361 = arith.remsi %add3A_331, %select_n3A_360 : i32
        %ne3A_362 = arith.constant 0 : i32
        %ne3A_363 = arith.cmpi ne, %rem3A_361, %ne3A_362 : i32
        %lt3A_364 = arith.constant 0 : i32
        %lt3A_365 = arith.cmpi slt, %rem3A_361, %lt3A_364 : i32
        %lt3A_366 = arith.constant 0 : i32
        %lt3A_367 = arith.cmpi slt, %select_n3A_360, %lt3A_366 : i32
        %ne3A_368 = arith.xori %lt3A_365, %lt3A_367 : i1
        %and3A_369 = arith.andi %ne3A_368, %ne3A_363 : i1
        %add3A_370 = arith.addi %rem3A_361, %select_n3A_360 : i32
        %select_n3A_371 = arith.select %and3A_369, %add3A_370, %rem3A_361 : i32
        %mul3A_372 = arith.constant 64 : i32
        %mul3A_373 = arith.muli %select_n3A_371, %mul3A_372 : i32
        %mul3A_374 = arith.constant 3 : i32
        %mul3A_375 = arith.muli %add3A, %mul3A_374 : i32
        %add3A_376 = arith.addi %mul3A_375, %select_n3A_355 : i32
        %jit3A_377 = arith.constant 3 : i32
        %div3A_378 = arith.divsi %add3A_376, %jit3A_377 : i32
        %sign3A_379 = arith.constant 0 : i32
        %sign3A_380 = arith.cmpi sgt, %add3A_376, %sign3A_379 : i32
        %sign3A_381 = arith.extui %sign3A_380 : i1 to i32
        %sign3A_382 = arith.constant 0 : i32
        %sign3A_383 = arith.cmpi slt, %add3A_376, %sign3A_382 : i32
        %sign3A_384 = arith.extui %sign3A_383 : i1 to i32
        %sign3A_385 = arith.subi %sign3A_381, %sign3A_384 : i32
        %sign3A_386 = arith.constant 0 : i32
        %sign3A_387 = arith.cmpi sgt, %jit3A_377, %sign3A_386 : i32
        %sign3A_388 = arith.extui %sign3A_387 : i1 to i32
        %sign3A_389 = arith.constant 0 : i32
        %sign3A_390 = arith.cmpi slt, %jit3A_377, %sign3A_389 : i32
        %sign3A_391 = arith.extui %sign3A_390 : i1 to i32
        %sign3A_392 = arith.subi %sign3A_388, %sign3A_391 : i32
        %ne3A_393 = arith.cmpi ne, %sign3A_385, %sign3A_392 : i32
        %rem3A_394 = arith.remsi %add3A_376, %jit3A_377 : i32
        %ne3A_395 = arith.constant 0 : i32
        %ne3A_396 = arith.cmpi ne, %rem3A_394, %ne3A_395 : i32
        %and3A_397 = arith.andi %ne3A_393, %ne3A_396 : i1
        %sub3A_398 = arith.constant 1 : i32
        %sub3A_399 = arith.subi %div3A_378, %sub3A_398 : i32
        %select_n3A_400 = arith.select %and3A_397, %sub3A_399, %div3A_378 : i32
        %jit3A_401 = arith.constant 3 : i32
        %eq3A_402 = arith.constant 0 : i32
        %eq3A_403 = arith.cmpi eq, %jit3A_401, %eq3A_402 : i32
        %jit3A_404 = arith.constant 1 : i32
        %select_n3A_405 = arith.select %eq3A_403, %jit3A_404, %jit3A_401 : i32
        %rem3A_406 = arith.remsi %add3A_376, %select_n3A_405 : i32
        %ne3A_407 = arith.constant 0 : i32
        %ne3A_408 = arith.cmpi ne, %rem3A_406, %ne3A_407 : i32
        %lt3A_409 = arith.constant 0 : i32
        %lt3A_410 = arith.cmpi slt, %rem3A_406, %lt3A_409 : i32
        %lt3A_411 = arith.constant 0 : i32
        %lt3A_412 = arith.cmpi slt, %select_n3A_405, %lt3A_411 : i32
        %ne3A_413 = arith.xori %lt3A_410, %lt3A_412 : i1
        %and3A_414 = arith.andi %ne3A_413, %ne3A_408 : i1
        %add3A_415 = arith.addi %rem3A_406, %select_n3A_405 : i32
        %select_n3A_416 = arith.select %and3A_414, %add3A_415, %rem3A_406 : i32
        %dma_start3A_417 = arith.constant 0 : i32
        %dma_start3A_418 = tpu.memref_slice %arg3[%select_n3A_400, %select_n3A_416, %mul3A_373, %dma_start3A_417] : memref<32x3x512x512xf32, #tpu.memory_space<hbm>> -> memref<1x1x64x512xf32, #tpu.memory_space<hbm>>
        %dma_start3A_419 = tpu.memref_squeeze %dma_start3A_418 : memref<1x1x64x512xf32, #tpu.memory_space<hbm>> -> memref<64x512xf32, #tpu.memory_space<hbm>>
        %dma_start3A_420 = arith.constant 0 : i32
        %dma_start3A_421 = tpu.memref_slice %arg3[%select_n3A_400, %select_n3A_416, %mul3A_373, %dma_start3A_420] : memref<32x3x512x512xf32, #tpu.memory_space<hbm>> -> memref<1x1x64x512xf32, #tpu.memory_space<hbm>>
        %dma_start3A_422 = tpu.memref_squeeze %dma_start3A_421 : memref<1x1x64x512xf32, #tpu.memory_space<hbm>> -> memref<64x512xf32, #tpu.memory_space<hbm>>
        tpu.enqueue_dma source(%dma_start3A_422 : memref<64x512xf32, #tpu.memory_space<hbm>>) target(%arg5 : memref<64x512xf32, #tpu.memory_space<vmem>>) target_semaphore(%arg8 : memref<!tpu.dma_semaphore, #tpu.memory_space<semaphore_mem>>)
      } else {
      }
      %dma_wait3A_276 = arith.constant 0 : i32
      %dma_wait3A_277 = arith.constant 0 : i32
      %dma_wait3A_278 = arith.constant 0 : i32
      %dma_wait3A_279 = arith.constant 0 : i32
      %dma_wait3A_280 = tpu.memref_slice %arg3[%dma_wait3A_276, %dma_wait3A_277, %dma_wait3A_278, %dma_wait3A_279] : memref<32x3x512x512xf32, #tpu.memory_space<hbm>> -> memref<1x1x64x512xf32, #tpu.memory_space<hbm>>
      %dma_wait3A_281 = tpu.memref_squeeze %dma_wait3A_280 : memref<1x1x64x512xf32, #tpu.memory_space<hbm>> -> memref<64x512xf32, #tpu.memory_space<hbm>>
      %dma_wait3A_282 = arith.constant 0 : i32
      %dma_wait3A_283 = arith.constant 0 : i32
      %dma_wait3A_284 = tpu.memref_slice %arg3[%dma_wait3A_276, %dma_wait3A_277, %dma_wait3A_282, %dma_wait3A_283] : memref<32x3x512x512xf32, #tpu.memory_space<hbm>> -> memref<1x1x64x512xf32, #tpu.memory_space<hbm>>
      %dma_wait3A_285 = tpu.memref_squeeze %dma_wait3A_284 : memref<1x1x64x512xf32, #tpu.memory_space<hbm>> -> memref<64x512xf32, #tpu.memory_space<hbm>>
      tpu.wait_dma2 semaphore(%arg9 : memref<!tpu.dma_semaphore, #tpu.memory_space<semaphore_mem>>) src(%dma_wait3A_285 : memref<64x512xf32, #tpu.memory_space<hbm>>) dst(%arg6 : memref<64x512xf32, #tpu.memory_space<vmem>>)
      %add3A_286 = arith.constant 1 : i32
      %add3A_287 = arith.addi %mul3A_228, %add3A_286 : i32
      %jit3A_288 = arith.constant 8 : i32
      %div3A_289 = arith.divsi %add3A_287, %jit3A_288 : i32
      %sign3A_290 = arith.constant 0 : i32
      %sign3A_291 = arith.cmpi sgt, %add3A_287, %sign3A_290 : i32
      %sign3A_292 = arith.extui %sign3A_291 : i1 to i32
      %sign3A_293 = arith.constant 0 : i32
      %sign3A_294 = arith.cmpi slt, %add3A_287, %sign3A_293 : i32
      %sign3A_295 = arith.extui %sign3A_294 : i1 to i32
      %sign3A_296 = arith.subi %sign3A_292, %sign3A_295 : i32
      %sign3A_297 = arith.constant 0 : i32
      %sign3A_298 = arith.cmpi sgt, %jit3A_288, %sign3A_297 : i32
      %sign3A_299 = arith.extui %sign3A_298 : i1 to i32
      %sign3A_300 = arith.constant 0 : i32
      %sign3A_301 = arith.cmpi slt, %jit3A_288, %sign3A_300 : i32
      %sign3A_302 = arith.extui %sign3A_301 : i1 to i32
      %sign3A_303 = arith.subi %sign3A_299, %sign3A_302 : i32
      %ne3A_304 = arith.cmpi ne, %sign3A_296, %sign3A_303 : i32
      %rem3A_305 = arith.remsi %add3A_287, %jit3A_288 : i32
      %ne3A_306 = arith.constant 0 : i32
      %ne3A_307 = arith.cmpi ne, %rem3A_305, %ne3A_306 : i32
      %and3A_308 = arith.andi %ne3A_304, %ne3A_307 : i1
      %sub3A_309 = arith.constant 1 : i32
      %sub3A_310 = arith.subi %div3A_289, %sub3A_309 : i32
      %select_n3A_311 = arith.select %and3A_308, %sub3A_310, %div3A_289 : i32
      %mul3A_312 = arith.constant 4096 : i32
      %mul3A_313 = arith.muli %select_n3A_311, %mul3A_312 : i32
      %add3A_314 = vector.broadcast %mul3A_313 : i32 to vector<16xi32>
      %add3A_315 = arith.addi %iota3A, %add3A_314 : vector<16xi32>
      %sub3A_316 = arith.constant 520192 : i32
      %sub3A_317 = vector.broadcast %sub3A_316 : i32 to vector<16xi32>
      %sub3A_318 = arith.subi %add3A_315, %sub3A_317 : vector<16xi32>
      %parallel_loop3A_319 = arith.constant 0 : i32
      %parallel_loop3A_320 = arith.constant 2048 : i32
      %parallel_loop3A_321 = arith.constant 1 : i32
      scf.for %parallel_loop3A_330 = %parallel_loop3A_319 to %parallel_loop3A_320 step %parallel_loop3A_321  : i32 {
        %parallel_loop3A_331 = arith.constant 32 : i32
        %parallel_loop3A_332 = arith.divsi %parallel_loop3A_330, %parallel_loop3A_331 : i32
        %parallel_loop3A_333 = arith.constant 0 : i32
        %parallel_loop3A_334 = arith.cmpi sgt, %parallel_loop3A_330, %parallel_loop3A_333 : i32
        %parallel_loop3A_335 = arith.extui %parallel_loop3A_334 : i1 to i32
        %parallel_loop3A_336 = arith.constant 0 : i32
        %parallel_loop3A_337 = arith.cmpi slt, %parallel_loop3A_330, %parallel_loop3A_336 : i32
        %parallel_loop3A_338 = arith.extui %parallel_loop3A_337 : i1 to i32
        %parallel_loop3A_339 = arith.subi %parallel_loop3A_335, %parallel_loop3A_338 : i32
        %parallel_loop3A_340 = arith.constant 0 : i32
        %parallel_loop3A_341 = arith.cmpi sgt, %parallel_loop3A_331, %parallel_loop3A_340 : i32
        %parallel_loop3A_342 = arith.extui %parallel_loop3A_341 : i1 to i32
        %parallel_loop3A_343 = arith.constant 0 : i32
        %parallel_loop3A_344 = arith.cmpi slt, %parallel_loop3A_331, %parallel_loop3A_343 : i32
        %parallel_loop3A_345 = arith.extui %parallel_loop3A_344 : i1 to i32
        %parallel_loop3A_346 = arith.subi %parallel_loop3A_342, %parallel_loop3A_345 : i32
        %parallel_loop3A_347 = arith.cmpi ne, %parallel_loop3A_339, %parallel_loop3A_346 : i32
        %parallel_loop3A_348 = arith.remsi %parallel_loop3A_330, %parallel_loop3A_331 : i32
        %parallel_loop3A_349 = arith.constant 0 : i32
        %parallel_loop3A_350 = arith.cmpi ne, %parallel_loop3A_348, %parallel_loop3A_349 : i32
        %parallel_loop3A_351 = arith.andi %parallel_loop3A_347, %parallel_loop3A_350 : i1
        %parallel_loop3A_352 = arith.constant 1 : i32
        %parallel_loop3A_353 = arith.subi %parallel_loop3A_332, %parallel_loop3A_352 : i32
        %parallel_loop3A_354 = arith.select %parallel_loop3A_351, %parallel_loop3A_353, %parallel_loop3A_332 : i32
        %parallel_loop3A_355 = arith.constant 32 : i32
        %parallel_loop3A_356 = arith.constant 0 : i32
        %parallel_loop3A_357 = arith.cmpi eq, %parallel_loop3A_355, %parallel_loop3A_356 : i32
        %parallel_loop3A_358 = arith.constant 1 : i32
        %parallel_loop3A_359 = arith.select %parallel_loop3A_357, %parallel_loop3A_358, %parallel_loop3A_355 : i32
        %parallel_loop3A_360 = arith.remsi %parallel_loop3A_330, %parallel_loop3A_359 : i32
        %parallel_loop3A_361 = arith.constant 0 : i32
        %parallel_loop3A_362 = arith.cmpi ne, %parallel_loop3A_360, %parallel_loop3A_361 : i32
        %parallel_loop3A_363 = arith.constant 0 : i32
        %parallel_loop3A_364 = arith.cmpi slt, %parallel_loop3A_360, %parallel_loop3A_363 : i32
        %parallel_loop3A_365 = arith.constant 0 : i32
        %parallel_loop3A_366 = arith.cmpi slt, %parallel_loop3A_359, %parallel_loop3A_365 : i32
        %parallel_loop3A_367 = arith.xori %parallel_loop3A_364, %parallel_loop3A_366 : i1
        %parallel_loop3A_368 = arith.andi %parallel_loop3A_367, %parallel_loop3A_362 : i1
        %parallel_loop3A_369 = arith.addi %parallel_loop3A_360, %parallel_loop3A_359 : i32
        %parallel_loop3A_370 = arith.select %parallel_loop3A_368, %parallel_loop3A_369, %parallel_loop3A_360 : i32
        %parallel_loop3A_371 = arith.constant 16 : i32
        %parallel_loop3A_372 = arith.muli %parallel_loop3A_370, %parallel_loop3A_371 : i32
        %parallel_loop3A_373 = arith.index_cast %parallel_loop3A_354 : i32 to index
        %parallel_loop3A_374 = arith.index_cast %parallel_loop3A_372 : i32 to index
        %parallel_loop3A_375 = tpu.vector_load %arg6[%parallel_loop3A_373, %parallel_loop3A_374] {strides = array<i32>} : memref<64x512xf32, #tpu.memory_space<vmem>>, vector<16xf32>,
        %parallel_loop3A_376 = arith.constant 1.000000e+00 : f32
        %parallel_loop3A_377 = vector.broadcast %parallel_loop3A_376 : f32 to vector<16xf32>
        %parallel_loop3A_378 = arith.addf %parallel_loop3A_375, %parallel_loop3A_377 : vector<16xf32>
        %parallel_loop3A_379 = vector.bitcast %parallel_loop3A_378 : vector<16xf32> to vector<16xi32>
        %parallel_loop3A_380 = arith.constant 11 : i32
        %parallel_loop3A_381 = vector.broadcast %parallel_loop3A_380 : i32 to vector<16xi32>
        %parallel_loop3A_382 = arith.shrui %parallel_loop3A_379, %parallel_loop3A_381 : vector<16xi32>
        %parallel_loop3A_383 = arith.constant -16 : i32
        %parallel_loop3A_384 = vector.broadcast %parallel_loop3A_383 : i32 to vector<16xi32>
        %parallel_loop3A_385 = arith.andi %parallel_loop3A_382, %parallel_loop3A_384 : vector<16xi32>
        %parallel_loop3A_386 = arith.addi %parallel_loop3A_385, %sub3A_318 : vector<16xi32>
        tpu.vector_store_idx %arg7[%parallel_loop3A_386], %broadcast_in_dim3A_109 {add = true} : memref<12288xf32, #tpu.memory_space<vmem>>[vector<16xi32>], vector<16xf32>,
      } {sc.loop_unroll_factor = 16 : i64, sc.parallel_access}
      %add3A_322 = arith.constant 3 : i32
      %add3A_323 = arith.addi %mul3A_228, %add3A_322 : i32
      %lt3A_324 = arith.constant 24 : i32
      %lt3A_325 = arith.cmpi slt, %add3A_323, %lt3A_324 : i32
      %convert_element_type3A_326 = arith.extui %lt3A_325 : i1 to i32
      %cond3A_327 = arith.constant 0 : i32
      %cond3A_328 = arith.cmpi ne, %convert_element_type3A_326, %cond3A_327 : i32
      scf.if %cond3A_328 {
        %add3A_330 = arith.constant 3 : i32
        %add3A_331 = arith.addi %mul3A_228, %add3A_330 : i32
        %jit3A_332 = arith.constant 8 : i32
        %div3A_333 = arith.divsi %add3A_331, %jit3A_332 : i32
        %sign3A_334 = arith.constant 0 : i32
        %sign3A_335 = arith.cmpi sgt, %add3A_331, %sign3A_334 : i32
        %sign3A_336 = arith.extui %sign3A_335 : i1 to i32
        %sign3A_337 = arith.constant 0 : i32
        %sign3A_338 = arith.cmpi slt, %add3A_331, %sign3A_337 : i32
        %sign3A_339 = arith.extui %sign3A_338 : i1 to i32
        %sign3A_340 = arith.subi %sign3A_336, %sign3A_339 : i32
        %sign3A_341 = arith.constant 0 : i32
        %sign3A_342 = arith.cmpi sgt, %jit3A_332, %sign3A_341 : i32
        %sign3A_343 = arith.extui %sign3A_342 : i1 to i32
        %sign3A_344 = arith.constant 0 : i32
        %sign3A_345 = arith.cmpi slt, %jit3A_332, %sign3A_344 : i32
        %sign3A_346 = arith.extui %sign3A_345 : i1 to i32
        %sign3A_347 = arith.subi %sign3A_343, %sign3A_346 : i32
        %ne3A_348 = arith.cmpi ne, %sign3A_340, %sign3A_347 : i32
        %rem3A_349 = arith.remsi %add3A_331, %jit3A_332 : i32
        %ne3A_350 = arith.constant 0 : i32
        %ne3A_351 = arith.cmpi ne, %rem3A_349, %ne3A_350 : i32
        %and3A_352 = arith.andi %ne3A_348, %ne3A_351 : i1
        %sub3A_353 = arith.constant 1 : i32
        %sub3A_354 = arith.subi %div3A_333, %sub3A_353 : i32
        %select_n3A_355 = arith.select %and3A_352, %sub3A_354, %div3A_333 : i32
        %jit3A_356 = arith.constant 8 : i32
        %eq3A_357 = arith.constant 0 : i32
        %eq3A_358 = arith.cmpi eq, %jit3A_356, %eq3A_357 : i32
        %jit3A_359 = arith.constant 1 : i32
        %select_n3A_360 = arith.select %eq3A_358, %jit3A_359, %jit3A_356 : i32
        %rem3A_361 = arith.remsi %add3A_331, %select_n3A_360 : i32
        %ne3A_362 = arith.constant 0 : i32
        %ne3A_363 = arith.cmpi ne, %rem3A_361, %ne3A_362 : i32
        %lt3A_364 = arith.constant 0 : i32
        %lt3A_365 = arith.cmpi slt, %rem3A_361, %lt3A_364 : i32
        %lt3A_366 = arith.constant 0 : i32
        %lt3A_367 = arith.cmpi slt, %select_n3A_360, %lt3A_366 : i32
        %ne3A_368 = arith.xori %lt3A_365, %lt3A_367 : i1
        %and3A_369 = arith.andi %ne3A_368, %ne3A_363 : i1
        %add3A_370 = arith.addi %rem3A_361, %select_n3A_360 : i32
        %select_n3A_371 = arith.select %and3A_369, %add3A_370, %rem3A_361 : i32
        %mul3A_372 = arith.constant 64 : i32
        %mul3A_373 = arith.muli %select_n3A_371, %mul3A_372 : i32
        %mul3A_374 = arith.constant 3 : i32
        %mul3A_375 = arith.muli %add3A, %mul3A_374 : i32
        %add3A_376 = arith.addi %mul3A_375, %select_n3A_355 : i32
        %jit3A_377 = arith.constant 3 : i32
        %div3A_378 = arith.divsi %add3A_376, %jit3A_377 : i32
        %sign3A_379 = arith.constant 0 : i32
        %sign3A_380 = arith.cmpi sgt, %add3A_376, %sign3A_379 : i32
        %sign3A_381 = arith.extui %sign3A_380 : i1 to i32
        %sign3A_382 = arith.constant 0 : i32
        %sign3A_383 = arith.cmpi slt, %add3A_376, %sign3A_382 : i32
        %sign3A_384 = arith.extui %sign3A_383 : i1 to i32
        %sign3A_385 = arith.subi %sign3A_381, %sign3A_384 : i32
        %sign3A_386 = arith.constant 0 : i32
        %sign3A_387 = arith.cmpi sgt, %jit3A_377, %sign3A_386 : i32
        %sign3A_388 = arith.extui %sign3A_387 : i1 to i32
        %sign3A_389 = arith.constant 0 : i32
        %sign3A_390 = arith.cmpi slt, %jit3A_377, %sign3A_389 : i32
        %sign3A_391 = arith.extui %sign3A_390 : i1 to i32
        %sign3A_392 = arith.subi %sign3A_388, %sign3A_391 : i32
        %ne3A_393 = arith.cmpi ne, %sign3A_385, %sign3A_392 : i32
        %rem3A_394 = arith.remsi %add3A_376, %jit3A_377 : i32
        %ne3A_395 = arith.constant 0 : i32
        %ne3A_396 = arith.cmpi ne, %rem3A_394, %ne3A_395 : i32
        %and3A_397 = arith.andi %ne3A_393, %ne3A_396 : i1
        %sub3A_398 = arith.constant 1 : i32
        %sub3A_399 = arith.subi %div3A_378, %sub3A_398 : i32
        %select_n3A_400 = arith.select %and3A_397, %sub3A_399, %div3A_378 : i32
        %jit3A_401 = arith.constant 3 : i32
        %eq3A_402 = arith.constant 0 : i32
        %eq3A_403 = arith.cmpi eq, %jit3A_401, %eq3A_402 : i32
        %jit3A_404 = arith.constant 1 : i32
        %select_n3A_405 = arith.select %eq3A_403, %jit3A_404, %jit3A_401 : i32
        %rem3A_406 = arith.remsi %add3A_376, %select_n3A_405 : i32
        %ne3A_407 = arith.constant 0 : i32
        %ne3A_408 = arith.cmpi ne, %rem3A_406, %ne3A_407 : i32
        %lt3A_409 = arith.constant 0 : i32
        %lt3A_410 = arith.cmpi slt, %rem3A_406, %lt3A_409 : i32
        %lt3A_411 = arith.constant 0 : i32
        %lt3A_412 = arith.cmpi slt, %select_n3A_405, %lt3A_411 : i32
        %ne3A_413 = arith.xori %lt3A_410, %lt3A_412 : i1
        %and3A_414 = arith.andi %ne3A_413, %ne3A_408 : i1
        %add3A_415 = arith.addi %rem3A_406, %select_n3A_405 : i32
        %select_n3A_416 = arith.select %and3A_414, %add3A_415, %rem3A_406 : i32
        %dma_start3A_417 = arith.constant 0 : i32
        %dma_start3A_418 = tpu.memref_slice %arg3[%select_n3A_400, %select_n3A_416, %mul3A_373, %dma_start3A_417] : memref<32x3x512x512xf32, #tpu.memory_space<hbm>> -> memref<1x1x64x512xf32, #tpu.memory_space<hbm>>
        %dma_start3A_419 = tpu.memref_squeeze %dma_start3A_418 : memref<1x1x64x512xf32, #tpu.memory_space<hbm>> -> memref<64x512xf32, #tpu.memory_space<hbm>>
        %dma_start3A_420 = arith.constant 0 : i32
        %dma_start3A_421 = tpu.memref_slice %arg3[%select_n3A_400, %select_n3A_416, %mul3A_373, %dma_start3A_420] : memref<32x3x512x512xf32, #tpu.memory_space<hbm>> -> memref<1x1x64x512xf32, #tpu.memory_space<hbm>>
        %dma_start3A_422 = tpu.memref_squeeze %dma_start3A_421 : memref<1x1x64x512xf32, #tpu.memory_space<hbm>> -> memref<64x512xf32, #tpu.memory_space<hbm>>
        tpu.enqueue_dma source(%dma_start3A_422 : memref<64x512xf32, #tpu.memory_space<hbm>>) target(%arg6 : memref<64x512xf32, #tpu.memory_space<vmem>>) target_semaphore(%arg9 : memref<!tpu.dma_semaphore, #tpu.memory_space<semaphore_mem>>)
      } else {
      }
      %scan3A_329 = arith.constant 0 : i32
      scf.yield %scan3A_329 : i32
    }
    %scan3A_220 = arith.constant 12 : i32
    %mul3A_221 = arith.constant 768 : i32
    %mul3A_222 = arith.muli %add3A, %mul3A_221 : i32
    %mul3A_223 = arith.constant 16 : i32
    %mul3A_224 = arith.muli %mul3A_222, %mul3A_223 : i32
    "tpu.region"() ({
      %run_scoped3A = tpu.sem_alloc : memref<!tpu.dma_semaphore, #tpu.memory_space<semaphore_mem>>
      %dma_start3A_225 = tpu.memref_slice %arg4[%mul3A_224] : memref<393216xf32, #tpu.memory_space<hbm>> -> memref<12288xf32, #tpu.memory_space<hbm>>
      %dma_start3A_226 = tpu.memref_slice %arg4[%mul3A_224] : memref<393216xf32, #tpu.memory_space<hbm>> -> memref<12288xf32, #tpu.memory_space<hbm>>
      tpu.enqueue_dma source(%arg7 : memref<12288xf32, #tpu.memory_space<vmem>>) target(%dma_start3A_226 : memref<12288xf32, #tpu.memory_space<hbm>>) target_semaphore(%run_scoped3A : memref<!tpu.dma_semaphore, #tpu.memory_space<semaphore_mem>>)
      %dma_wait3A = tpu.memref_slice %arg4[%mul3A_224] : memref<393216xf32, #tpu.memory_space<hbm>> -> memref<12288xf32, #tpu.memory_space<hbm>>
      %dma_wait3A_227 = tpu.memref_slice %arg4[%mul3A_224] : memref<393216xf32, #tpu.memory_space<hbm>> -> memref<12288xf32, #tpu.memory_space<hbm>>
      tpu.wait_dma2 semaphore(%run_scoped3A : memref<!tpu.dma_semaphore, #tpu.memory_space<semaphore_mem>>) src(%arg7 : memref<12288xf32, #tpu.memory_space<vmem>>) dst(%dma_wait3A_227 : memref<12288xf32, #tpu.memory_space<hbm>>)
      tpu.yield
    }) : () -> ()
    return
  }
}

module attributes {stable_mosaic.version = 14 : i64} {
  func.func @_loss_body(%arg0: memref<32x96x128xf32, #tpu.memory_space<vmem>>, %arg1: memref<1x1xf32, #tpu.memory_space<vmem>>) attributes {dimension_semantics = [], scalar_prefetch = 0 : i64, scratch_operands = 0 : i64, tpu.core_type = #tpu.core_type<tc>} {
    %get3A = arith.constant 0 : index
    %get3A_0 = arith.constant 0 : index
    %get3A_1 = arith.constant 0 : index
    %get3A_2 = vector.load %arg0[%get3A, %get3A_0, %get3A_1] : memref<32x96x128xf32, #tpu.memory_space<vmem>>, vector<32x96x128xf32>
    %reduce_sum3A = arith.constant dense<0.000000e+00> : vector<96x128xf32>
    %reduce_sum3A_3 = vector.multi_reduction <add>, %get3A_2, %reduce_sum3A [0] : vector<32x96x128xf32> to vector<96x128xf32>
    %iota3A = tpu.iota {dimensions = array<i32: 0>} : vector<128x8xi32>
    %jit3A = arith.constant 16 : i32
    %div3A = vector.broadcast %jit3A : i32 to vector<128x8xi32>
    %div3A_4 = arith.divsi %iota3A, %div3A : vector<128x8xi32>
    %sign3A = arith.constant 0 : i32
    %sign3A_5 = vector.broadcast %sign3A : i32 to vector<128x8xi32>
    %sign3A_6 = arith.cmpi sgt, %iota3A, %sign3A_5 : vector<128x8xi32>
    %sign3A_7 = arith.extui %sign3A_6 : vector<128x8xi1> to vector<128x8xi32>
    %sign3A_8 = arith.constant 0 : i32
    %sign3A_9 = vector.broadcast %sign3A_8 : i32 to vector<128x8xi32>
    %sign3A_10 = arith.cmpi slt, %iota3A, %sign3A_9 : vector<128x8xi32>
    %sign3A_11 = arith.extui %sign3A_10 : vector<128x8xi1> to vector<128x8xi32>
    %sign3A_12 = arith.subi %sign3A_7, %sign3A_11 : vector<128x8xi32>
    %sign3A_13 = arith.constant 0 : i32
    %sign3A_14 = arith.cmpi sgt, %jit3A, %sign3A_13 : i32
    %sign3A_15 = arith.extui %sign3A_14 : i1 to i32
    %sign3A_16 = arith.constant 0 : i32
    %sign3A_17 = arith.cmpi slt, %jit3A, %sign3A_16 : i32
    %sign3A_18 = arith.extui %sign3A_17 : i1 to i32
    %sign3A_19 = arith.subi %sign3A_15, %sign3A_18 : i32
    %ne3A = vector.broadcast %sign3A_19 : i32 to vector<128x8xi32>
    %ne3A_20 = arith.cmpi ne, %sign3A_12, %ne3A : vector<128x8xi32>
    %rem3A = vector.broadcast %jit3A : i32 to vector<128x8xi32>
    %rem3A_21 = arith.remsi %iota3A, %rem3A : vector<128x8xi32>
    %ne3A_22 = arith.constant 0 : i32
    %ne3A_23 = vector.broadcast %ne3A_22 : i32 to vector<128x8xi32>
    %ne3A_24 = arith.cmpi ne, %rem3A_21, %ne3A_23 : vector<128x8xi32>
    %and3A = arith.andi %ne3A_20, %ne3A_24 : vector<128x8xi1>
    %sub3A = arith.constant 1 : i32
    %sub3A_25 = vector.broadcast %sub3A : i32 to vector<128x8xi32>
    %sub3A_26 = arith.subi %div3A_4, %sub3A_25 : vector<128x8xi32>
    %select_n3A = arith.select %and3A, %sub3A_26, %div3A_4 : vector<128x8xi1>, vector<128x8xi32>
    %iota3A_27 = tpu.iota {dimensions = array<i32: 1>} : vector<128x8xi32>
    %eq3A = arith.cmpi eq, %select_n3A, %iota3A_27 : vector<128x8xi32>
    %convert_element_type3A = arith.extui %eq3A : vector<128x8xi1> to vector<128x8xi32>
    %convert_element_type3A_28 = arith.sitofp %convert_element_type3A : vector<128x8xi32> to vector<128x8xf32>
    %dot_general3A = arith.constant dense<0.000000e+00> : vector<96x8xf32>
    %dot_general3A_29 = tpu.matmul %reduce_sum3A_3, %convert_element_type3A_28, %dot_general3A {dimension_numbers = #tpu.dot_dimension_numbers<[1], [0], [0], [1], [0, 0, 1, 1], [], []>, transpose_lhs_hint = false} : vector<96x128xf32>, vector<128x8xf32>, vector<96x8xf32> -> vector<96x8xf32>
    %abs3A = math.absf %dot_general3A_29 : vector<96x8xf32>
    %reduce_sum3A_30 = arith.constant dense<0.000000e+00> : vector<96xf32>
    %reduce_sum3A_31 = vector.multi_reduction <add>, %abs3A, %reduce_sum3A_30 [1] : vector<96x8xf32> to vector<96xf32>
    %broadcast_in_dim3A = vector.shape_cast %reduce_sum3A_31 : vector<96xf32> to vector<96x1xf32>
    %reduce_sum3A_32 = arith.constant dense<0.000000e+00> : vector<1xf32>
    %reduce_sum3A_33 = vector.multi_reduction <add>, %broadcast_in_dim3A, %reduce_sum3A_32 [0] : vector<96x1xf32> to vector<1xf32>
    %broadcast_in_dim3A_34 = vector.shape_cast %reduce_sum3A_33 : vector<1xf32> to vector<1x1xf32>
    %mul3A = arith.constant 1.55220434E-10 : f32
    %mul3A_35 = vector.broadcast %mul3A : f32 to vector<1x1xf32>
    %mul3A_36 = arith.mulf %broadcast_in_dim3A_34, %mul3A_35 : vector<1x1xf32>
    %swap3A = arith.constant 0 : index
    %swap3A_37 = arith.constant 0 : index
    %swap3A_38 = vector.load %arg1[%swap3A, %swap3A_37] : memref<1x1xf32, #tpu.memory_space<vmem>>, vector<1x1xf32>
    tpu.vector_store %arg1[%swap3A, %swap3A_37], %mul3A_36 {strides = array<i32>} : memref<1x1xf32, #tpu.memory_space<vmem>>, vector<1x1xf32>,
    return
  }
}

</mosaic_0001>

<sc_bundles>
// kernel: kernel.4.cloned.1.call-start
scs
__scs_entry_jumppad:
0x0: {  	(pc) =	sbr.rel $0x88, $3  }
0x1: {  	(tag) =	ssettag $0x0;
	lr =	simm.s32 $0x1  }
0x2: {  	[smem:$0x3F9F] =	sst lr;
	_ =	strace $0xD0000000  }
0x3: {  	_ = 	snop  }
0x4: {  	_ = 	snop  }
0x5: {  	_ = 	snop  }
0x6: {  	_ = 	snop  }
0x7: {  	_ = 	snop  }
__scs_overlays_trampoline_lowered:
0x8: {  	[smem:$0x3FAE] =	sst s0  }
0x9: {  	[smem:$0x3FAF] =	sst s1  }
0xa: {  	[smem:$0x3FB0] =	sst s2  }
0xb: {  	[smem:$0x3FB1] =	sst s3  }
0xc: {  	[smem:$0x3FB2] =	sst s4  }
0xd: {  	[smem:$0x3FB3] =	sst s5  }
0xe: {  	[smem:$0x3FB4] =	sst s6  }
0xf: {  	[smem:$0x3FB5] =	sst s7  }
0x10: {  	[smem:$0x3FB6] =	sst s8  }
0x11: {  	[smem:$0x3FB7] =	sst s9;
	s0 =	simm.s32 @!p0 $0x0  }
0x12: {  	s1 =	sld [smem:$0x3F9D];
	s0 =	simm.s32 @p0 $0x1  }
0x13: {  	[smem:$0x3FB8] =	sst s0;
	s0 =	simm.s32 @!p1 $0x0  }
0x14: {  	s2 =	sld [smem:$0x3F9C];
	s0 =	simm.s32 @p1 $0x1  }
0x15: {  	[smem:$0x3FB9] =	sst s0;
	s0 =	simm.s32 @!p2 $0x0  }
0x16: {  	s3 =	sld [smem:$0x3FDB];
	s0 =	simm.s32 @p2 $0x1  }
0x17: {  	s4 =	simm.s32 $0x1BF5;
	[smem:$0x3FBB] =	sst s0  }
0x18: {  	s0 =	sld [smem:$0x3F9E];
	_ =	swait.ge [sflag:s4], $0x0  }
0x19: {  	s7 =	sld [smem:$0x3F9F]  }
0x1a: {  	s8 =	sadd.s32 $0xFFFFE003, lr  }
0x1b: {  	s9 =	sadd.s32 $0xFFFFFEF7, lr;
	s5 =	simm.s32 $0xFFFFFFFF;
	p2 =	slt.u32 s8, $0xFFFFF086  }
0x1c: {  	p1 =	slt.u32 s9, $0xF7A;
	s5 =	simm.s32 @!p2 $0x0  }
0x1d: {  	s5 =	simm.s32 @p1 $0x1;
	p0 =	seq.s32 s7, s2  }
0x1e: {  	s7 =	smul.u32 @!p0 $0xF7A, s2;
	p2 =	seq.s32 @!p0 s5, $0x0  }
0x1f: {  	s9 =	smul.u32 $0xF7A, s1;
	s8 =	simm.s32 @!p0 $0x1BF5;
	p2 =	por !p2, p0  }
0x20: {  	[sflag:s8] =	ssyncset.s32 @!p0 $0xFFFFF086;
	s6 =	sadd.s32 @!p0 s3, s7;
	s7 =	simm.s32 @!p0 $0x108  }
0x21: {  	s3 =	sadd.s32 s3, s9;
	s6 =	sadd.s32 @!p0 $0x88, s6;
	s7 =	simm.s32 @p2 $0x1082  }
0x22: {  	[simem:s7], [sflag:s8] =	dma.local @!p0 [hbm:s6], $0xF7A  }
0x23: {  	s9 =	sor.u32 $0xD0000000, s2;
	s6 =	simm.s32 $0x108;
	_ =	swait.ge @!p0 [sflag:s8], $0x0  }
0x24: {  	s3 =	sadd.s32 $0x88, s3;
	s6 =	simm.s32 @!p1 $0x1082;
	[sflag:s4] =	ssyncset.s32 $0xFFFFF086  }
0x25: {  	[simem:s6], [sflag:s4] =	dma.local [hbm:s3], $0xF7A  }
0x26: {  	[smem:$0x3F9F] =	sst s1;
	(tag) =	ssettag s2;
	_ =	strace s9  }
0x27: {  	s1 =	sld [smem:$0x3FAF]  }
0x28: {  	s2 =	sld [smem:$0x3FB0]  }
0x29: {  	s4 =	sld [smem:$0x3FB2]  }
0x2a: {  	p0 =	seq.s32 s5, $0x0;
	s5 =	sld [smem:$0x3FB3]  }
0x2b: {  	s6 =	sld [smem:$0x3FB4]  }
0x2c: {  	s7 =	sld [smem:$0x3FB5]  }
0x2d: {  	s3 =	simm.s32 $0x108;
	s8 =	sld [smem:$0x3FB6]  }
0x2e: {  	s3 =	simm.s32 @!p0 $0x1082;
	s9 =	sld [smem:$0x3FB7]  }
0x2f: {  	lr =	sadd.s32 s0, s3;
	s0 =	sld [smem:$0x3FAE]  }
0x30: {  	s3 =	sld [smem:$0x3FB1]  }
0x31: {  	[smem:$0x3FBA] =	sst s10  }
0x32: {  	s10 =	sld [smem:$0x3FB8];
	_ =	sdelay $0x3  }
0x33: {  	p0 =	seq.s32 s10, $0x1;
	s10 =	sld [smem:$0x3FBA];
	_ =	sdelay $0x3  }
0x34: {  	[smem:$0x3FBA] =	sst s10  }
0x35: {  	s10 =	sld [smem:$0x3FB9];
	_ =	sdelay $0x3  }
0x36: {  	p1 =	seq.s32 s10, $0x1;
	s10 =	sld [smem:$0x3FBA];
	_ =	sdelay $0x3  }
0x37: {  	[smem:$0x3FBA] =	sst s10  }
0x38: {  	s10 =	sld [smem:$0x3FBB]  }
0x39: {  	_ = 	snop;
	(pc) =	sbr.ind lr, $3  }
0x3a: {  	_ = 	snop  }
0x3b: {  	_ = 	snop  }
0x3c: {  	p2 =	seq.s32 s10, $0x1;
	s10 =	sld [smem:$0x3FBA]  }
0x3d: {  	_ =	shalt  }
0x3e: {  	_ =	shalt  }
0x3f: {  	_ =	shalt  }
0x40: {  	_ =	shalt  }
0x41: {  	_ =	shalt  }
0x42: {  	_ =	shalt  }
0x43: {  	_ =	shalt  }
0x44: {  	_ =	shalt  }
0x45: {  	_ =	shalt  }
0x46: {  	_ =	shalt  }
0x47: {  	_ =	shalt  }
0x48: {  	_ =	shalt  }
0x49: {  	_ =	shalt  }
0x4a: {  	_ =	shalt  }
0x4b: {  	_ =	shalt  }
0x4c: {  	_ =	shalt  }
0x4d: {  	_ =	shalt  }
0x4e: {  	_ =	shalt  }
0x4f: {  	_ =	shalt  }
0x50: {  	_ =	shalt  }
0x51: {  	_ =	shalt  }
0x52: {  	_ =	shalt  }
0x53: {  	_ =	shalt  }
0x54: {  	_ =	shalt  }
0x55: {  	_ =	shalt  }
0x56: {  	_ =	shalt  }
0x57: {  	_ =	shalt  }
0x58: {  	_ =	shalt  }
0x59: {  	_ =	shalt  }
0x5a: {  	_ =	shalt  }
0x5b: {  	_ =	shalt  }
0x5c: {  	_ =	shalt  }
0x5d: {  	_ =	shalt  }
0x5e: {  	_ =	shalt  }
0x5f: {  	_ =	shalt  }
0x60: {  	_ =	shalt  }
0x61: {  	_ =	shalt  }
0x62: {  	_ =	shalt  }
0x63: {  	_ =	shalt  }
0x64: {  	_ =	shalt  }
0x65: {  	_ =	shalt  }
0x66: {  	_ =	shalt  }
0x67: {  	_ =	shalt  }
0x68: {  	_ =	shalt  }
0x69: {  	_ =	shalt  }
0x6a: {  	_ =	shalt  }
0x6b: {  	_ =	shalt  }
0x6c: {  	_ =	shalt  }
0x6d: {  	_ =	shalt  }
0x6e: {  	_ =	shalt  }
0x6f: {  	_ =	shalt  }
0x70: {  	_ =	shalt  }
0x71: {  	_ =	shalt  }
0x72: {  	_ =	shalt  }
0x73: {  	_ =	shalt  }
0x74: {  	_ =	shalt  }
0x75: {  	_ =	shalt  }
0x76: {  	_ =	shalt  }
0x77: {  	_ =	shalt  }
0x78: {  	_ =	shalt  }
0x79: {  	_ =	shalt  }
0x7a: {  	_ =	shalt  }
0x7b: {  	_ =	shalt  }
0x7c: {  	_ =	shalt  }
0x7d: {  	_ =	shalt  }
0x7e: {  	_ =	shalt  }
0x7f: {  	_ =	shalt  }
0x80: {  	_ =	shalt  }
0x81: {  	_ =	shalt  }
0x82: {  	_ =	shalt  }
0x83: {  	_ =	shalt  }
0x84: {  	_ =	shalt  }
0x85: {  	_ =	shalt  }
0x86: {  	_ =	shalt  }
0x87: {  	_ =	shalt  }
.Lfunc_end0:
.L_simem_size_0:
called_computation_lowered:
.L_overlay_start_0:
0x88: {  	s2 =	sld [smem:$0x3FD9]  }
0x89: {  	s3 =	sld [smem:$0x3FFE];
	_ =	sdelay $0x1  }
0x8a: {  	s1 =	srdreg.scid  }
0x8b: {  	s0 =	sand.u32 $0x1, s1  }
0x8c: {  	s17 =	sshll.u32 s0, $0xA;
	s2 =	sadd.s32 s3, s2  }
0x8d: {  	s2 =	sadd.s32 s2, s17  }
0x8e: {  	[smem:$0x3FC6] =	sst s2  }
0x8f: {  	_ = 	snop  }
0x90: {  	s2 =	sld [smem:$0x3FC9]  }
0x91: {  	s18 =	sld [smem:$0x3FC8];
	(tm) =	ssettm $0x1  }
0x92: {  	s4 =	sld [smem:$0x3FFB];
	_ =	sdelay $0x3  }
0x93: {  	_ =	strace s4  }
0x94: {  	s4 =	sld [smem:$0x3FFC];
	_ =	sdelay $0x3  }
0x95: {  	_ =	strace s4  }
0x96: {  	s4 =	sld [smem:$0x3FFD];
	_ =	sdelay $0x3  }
0x97: {  	_ =	strace s4  }
0x98: {  	_ =	strace $0x8FFFFFFF  }
0x99: {  	s19 =	sld [smem:$0x3FDB];
	_ =	sdelay $0x1  }
0x9a: {  	s5 =	simm.s32 $_scs_section_size  }
0x9b: {  	s6 =	simm.s32 $_size__tile_overlayer_lowered;
	s7 =	simm.s32 $_tile_overlayer_lowered  }
0x9c: {  	s22 =	simm.s32 $0x1BFF;
	s21 =	sshll.u32 s7, $0x1;
	s4 =	sadd.s32 s5, s19  }
0x9d: {  	s8 =	simm.s32 $0x0;
	s20 =	sshll.u32 s6, $0x1;
	s6 =	sadd.s32 s21, s4  }
0x9e: {  	[timem:s8], [sflag:s22] =	dma.local [hbm:s6], s20  }
0x9f: {  	_ =	swait.ge [sflag:s22], s20  }
0xa0: {  	s5 =	ssub.s32 $0x0, s20;
	[sflag:s22] =	ssyncset.done $0x0  }
0xa1: {  	[sflag:s22] =	ssyncadd.s32 s5;
	_ =	sdelay $0x1  }
0xa2: {  	s23 =	simm.s32 $0x1B8B  }
0xa3: {  	_ =	swait.ge [sflag:s23], $0x1  }
0xa4: {  	[sflag:s23] =	ssyncset.done $0x0  }
0xa5: {  	s25 =	simm.s32 $0x1B8E;
	s24 =	sld [smem:$0x3FFE];
	[sflag:s23] =	ssyncadd.s32 $0xFFFFFFFF  }
0xa6: {  	s26 =	simm.s32 $execute0_lowered;
	[smem:$0x3FD2] =	sst s25  }
0xa7: {  	s6 =	sshll.u32 s26, $0x1;
	_ =	strace $0x80000046;
	[dreg:$0x1] =	wrdreg $0xFFFFFFFF  }
0xa8: {  	s28 =	simm.s32 $_size_execute0_lowered;
	s4 =	sadd.s32 s4, s6;
	[dreg:$0x0] =	wrdreg $0x0  }
0xa9: {  	s6 =	sshll.u32 s28, $0x1;
	[dreg:$0x2] =	wrdreg s4  }
0xaa: {  	[dreg:$0x3] =	wrdreg s6  }
0xab: {  	[dreg:$0x4] =	wrdreg $0xC0  }
0xac: {  	_ =	task [dreg:s8], $0x5FFFF  }
0xad: {  	[dreg:$0x1] =	wrdreg $0xFFFFFFFF  }
0xae: {  	[dreg:$0x0] =	wrdreg $0x60  }
0xaf: {  	[dreg:$0x2] =	wrdreg s2  }
0xb0: {  	[dreg:$0x3] =	wrdreg s18  }
0xb1: {  	[dreg:$0x4] =	wrdreg s24  }
0xb2: {  	[dreg:$0x5] =	wrdreg $0x9  }
0xb3: {  	_ =	task.clear_ibuf [dreg:s8], $0x6FFFF;
	_ =	strace $0x90000046  }
0xb4: {  	s29 =	simm.s32 $0x9;
	_ =	strace $0x80000048  }
0xb5: {  	_ =	swait.ge [sflag:s29], $0x1  }
0xb6: {  	[sflag:s29] =	ssyncadd.s32 $0xFFFFFFFF  }
0xb7: {  	_ =	strace $0x90000048  }
0xb8: {  	_ =	sfence  }
0xb9: {  	s30 =	sld [smem:$0x0];
	_ =	sdelay $0x2  }
0xba: {  	s31 =	sshll.u32 s1, $0xD;
	s1 =	sshrl.u32 s1, $0x2  }
0xbb: {  	s3 =	sand.u32 $0x4000, s31;
	s1 =	sadd.s32 s1, s30  }
0xbc: {  	s0 =	sor.u32 s3, s0;
	s1 =	sshll.u32 s1, $0x11  }
0xbd: {  	s0 =	sor.u32 s1, s0  }
0xbe: {  	s0 =	sadd.s32 $0x8F2B, s0  }
0xbf: {  	[sflag:s0] =	ssyncadd.remote.s32 $0x1  }
0xc0: {  	_ =	sfence.sel $0xFFFF  }
0xc1: {  	[dreg:$0x0] =	wrdreg $0xFFFFFFFF;
	(pc) =	sbr.abs _section_cstart, $3  }
0xc2: {  	[dreg:$0x1] =	wrdreg $0xFFFFFFFF  }
0xc3: {  	_ =	task.clear_ibuf [dreg:s8], $0x2FFFF;
	_ =	strace $0x9FFFFFFF  }
0xc4: {  	(tm) =	ssettm $0x7FFFFFFF  }
0xc5: {  	_ =	shalt  }
tec
execute0_lowered:
.L_overlay_start_1:
0x0: {  	(tag) =	ssettag $0x1  }
0x1: {  	s1 =	rddreg [dreg:$0x0]  }
0x2: {  	s2 =	srdreg.scid;
	s3 =	rddreg [dreg:$0x1]  }
0x3: {  	s0 =	stileid.u32;
	s6 =	rddreg [dreg:$0x2];
	s4 =	simm.s32 $0x0  }
0x4: {  	s13 =	simm.s32 $0x1;
	s5 =	sand.u32 $0x1, s2;
	s30 =	sshll.u32 s0, $0x1  }
0x5: {  	s14 =	simm.s32 $0x10000;
	s15 =	simm.s32 $0x2;
	s7 =	sor.u32 s5, s30  }
0x6: {  	s16 =	simm.s32 $0x3;
	s17 =	simm.s32 $0x0;
	s8 =	smul.u32 $0x600, s7  }
0x7: {  	s2 =	rddreg [dreg:$0x3];
	s5 =	ssub.s32 $0x2, s5;
	s9 =	smul.u32 $0x18000, s7  }
.Ltmp0:
0x8: {  	[smem:$0x7FF] =	sst s4;
	s31 =	sshrl.u32 s5, $0x1;
	(pc) =	sbr.rel .LBB2_1-.Ltmp0, $4  }
0x9: {  	_ =	strace $0x80000047;
	s11 =	ssub.s32 s5, s31;
	s5 =	smul.u32 $0x3, s7  }
0xa: {  	s10 =	sadd.s32 s8, s6;
	s12 =	sor.u32 $0x1000, s9;
	s6 =	sadd.s32 s1, s9  }
0xb: {  	v0 =	vimm.f32 $0.0e+00;
	v1 =	vlaneseq.u32;
	s8 =	sadd.s32 s3, s9;
	s11 =	smax.u32 s11, $0x1;
	s7 =	sadd.s32 s1, s12  }
0xc: {  	v2 =	vimm.f32 $1.000000000e+00;
	v3 =	vimm.f32 $-1.000000000e+00;
	v1 =	vor.u32 $0xFFF81000, v1;
	s9 =	sadd.s32 s3, s12;
	s10 =	sadd.s32 $0x600, s10;
	s12 =	simm.s32 $0x8000  }
.LBB2_17:
0xd: {  	s17 =	sadd.s32 $0x1, s17  }
0xe: {  	p0 =	sne.s32 s17, s11  }
.Ltmp1:
0xf: {  	_ = 	snop;
	(pc) =	sbr.rel @!p0 .LBB2_18-.Ltmp1, $4  }
0x10: {  	[hbm4b:s10+s4] =	stream.linear.scatter [tilespmem:s14], [sflag:$0x3], $0x3000, $0x38;
	[tilespmem:$0x13000] =	vst v63  }
0x11: {  	_ =	swait.ge [sflag:s16], $0x3000  }
0x12: {  	[sflag:s16] =	ssyncset.done $0x0  }
0x13: {  	[sflag:s16] =	ssyncadd.s32 $0xFFFFD000  }
.LBB2_1:
0x14: {  	s18 =	simm.s32 $0x10040  }
0x15: {  	[tilespmem:s18+$0xFFFFFFC0] =	vst v0  }
0x16: {  	[tilespmem:s18+$0x30] =	vst v0  }
0x17: {  	[tilespmem:s18+$0x20] =	vst v0  }
0x18: {  	[tilespmem:s18+$0x10] =	vst v0  }
0x19: {  	[tilespmem:s18+$0x0] =	vst v0  }
0x1a: {  	[tilespmem:s18+$0xFFFFFFF0] =	vst v0  }
0x1b: {  	s19 =	simm.s32 $0x0;
	[tilespmem:s18+$0xFFFFFFE0] =	vst v0  }
.LBB2_2:
0x1c: {  	s19 =	sadd.s32 $0x8, s19;
	[tilespmem:s18+$0xFFFFFFD0] =	vst v0;
	s18 =	sadd.s32 $0x80, s18  }
0x1d: {  	[tilespmem:s18+$0xFFFFFFC0] =	vst v0;
	p0 =	slt.u32 s19, $0x2F8  }
0x1e: {  	[tilespmem:s18+$0x30] =	vst v0  }
.Ltmp2:
0x1f: {  	[tilespmem:s18+$0x20] =	vst v0;
	(pc) =	sbr.rel @p0 .LBB2_2-.Ltmp2, $4  }
0x20: {  	[tilespmem:s18+$0x10] =	vst v0  }
0x21: {  	[tilespmem:s18+$0x0] =	vst v0  }
0x22: {  	[tilespmem:s18+$0xFFFFFFF0] =	vst v0  }
0x23: {  	[tilespmem:s18+$0xFFFFFFE0] =	vst v0  }
0x24: {  	[tilespmem:s18+$0xFFFFFFD0] =	vst v0;
	s18 =	simm.s32 $0x0  }
0x25: {  	[tilespmem:s18], [sflag:$0x1] =	stream.linear.gather [hbm4b:s6+s18], $0x8000, $0x38;
	[tilespmem:$0x13000] =	vst v63  }
0x26: {  	s19 =	simm.s32 $0x0  }
0x27: {  	[tilespmem:s12], [sflag:$0x2] =	stream.linear.gather [hbm4b:s7+s18], $0x8000, $0x38;
	[tilespmem:$0x13000] =	vst v63  }
.LBB2_4:
0x28: {  	_ =	swait.ge [sflag:s13], $0x8000;
	s20 =	simm.s32 $0x0  }
0x29: {  	s21 =	simm.s32 $0x0;
	s22 =	sand.u32 $0x800, s18;
	s20 =	sand.u32 $0x7000, s20  }
0x2a: {  	[sflag:s13] =	ssyncset.done $0x0;
	s21 =	sand.u32 $0x380, s21;
	s20 =	sor.u32 s22, s20  }
0x2b: {  	[sflag:s13] =	ssyncadd.s32 $0xFFFF8000;
	s20 =	sor.u32 s21, s20  }
0x2c: {  	v6 =	vld [tilespmem:s20+$0x420]  }
0x2d: {  	v4 =	vld [tilespmem:s20+$0x410]  }
0x2e: {  	v5 =	vld [tilespmem:s20+$0x440]  }
0x2f: {  	v7 =	vld [tilespmem:s20+$0x0]  }
0x30: {  	v8 =	vld [tilespmem:s20+$0x30]  }
0x31: {  	v9 =	vld [tilespmem:s20+$0x460]  }
0x32: {  	v11 =	vld [tilespmem:s20+$0x450]  }
0x33: {  	v14 =	vld [tilespmem:s20+$0x470];
	_ =	sdelay $0x1  }
0x34: {  	s31 =	sshll.u32 s19, $0xA;
	v12 =	vadd.f32 $1.000000000e+00, v4;
	v8 =	vadd.f32 $1.000000000e+00, v8  }
0x35: {  	s21 =	sand.u32 $0x3000, s31;
	v15 =	vadd.f32 $1.000000000e+00, v5;
	v17 =	vadd.f32 $1.000000000e+00, v9  }
0x36: {  	v10 =	vld [tilespmem:s20+$0x20];
	v4 =	vadd.s32 s21, v1;
	v6 =	vadd.f32 $1.000000000e+00, v6;
	v9 =	vadd.f32 $1.000000000e+00, v11  }
0x37: {  	v13 =	vld [tilespmem:s20+$0x400];
	v16 =	vadd.f32 $1.000000000e+00, v7;
	v14 =	vadd.f32 $1.000000000e+00, v14;
	v7 =	vshrl.u32 v8, $0xB  }
0x38: {  	v11 =	vshrl.u32 v6, $0xB;
	v12 =	vshrl.u32 v12, $0xB;
	v9 =	vshrl.u32 v9, $0xB  }
0x39: {  	v19 =	vld [tilespmem:s20+$0x50];
	v8 =	vand.u32 $0x1FFFF0, v7;
	v7 =	vshrl.u32 v15, $0xB;
	v18 =	vand.u32 $0x1FFFF0, v12  }
0x3a: {  	v12 =	vshrl.u32 v17, $0xB;
	v17 =	vshrl.u32 v14, $0xB;
	v6 =	vand.u32 $0x1FFFF0, v7  }
0x3b: {  	v14 =	vshrl.u32 v16, $0xB;
	v16 =	vld [tilespmem:s20+$0x70];
	v15 =	vadd.s32 v4, v6;
	v6 =	vand.u32 $0x1FFFF0, v9  }
0x3c: {  	v5 =	vadd.f32 $1.000000000e+00, v10;
	v10 =	vadd.f32 $1.000000000e+00, v13;
	v7 =	vld [tilespmem:s20+$0x40];
	v13 =	vadd.s32 v4, v6  }
0x3d: {  	v11 =	vand.u32 $0x1FFFF0, v11;
	v9 =	vadd.s32 v4, v8;
	v8 =	vld [tilespmem:s20+$0x430]  }
0x3e: {  	s22 =	simm.s32 $0x0;
	v19 =	vadd.f32 $1.000000000e+00, v19;
	s21 =	simm.s32 $0x0;
	v11 =	vadd.s32 v4, v11;
	v12 =	vand.u32 $0x1FFFF0, v12;
	v6 =	vld [tilespmem:s20+$0x10]  }
.LBB2_5:
0x3f: {  	s21 =	sadd.s32 $0x10, s21;
	v14 =	vand.u32 $0x1FFFF0, v14;
	v20 =	vld [tilespmem:s20+$0x60];
	v18 =	vadd.s32 v4, v18;
	v12 =	vadd.s32 v4, v12;
	s22 =	sadd.s32 $0x800, s22  }
0x40: {  	v5 =	vshrl.u32 v5, $0xB;
	v10 =	vshrl.u32 v10, $0xB;
	s20 =	sshll.u32 s21, $0x4;
	s23 =	sshll.u32 s21, $0x2;
	p0 =	slt.u32 s21, $0x7F0;
	v14 =	vadd.s32 v4, v14;
	[tilespmem:v15+s14+$0x0] =	vst.idx.add.f32.msk $0xffff, v2  }
0x41: {  	s24 =	sand.u32 $0x800, s22;
	v15 =	vshrl.u32 v19, $0xB;
	v10 =	vand.u32 $0x1FFFF0, v10;
	s20 =	sand.u32 $0x7000, s20;
	s23 =	sand.u32 $0x380, s23;
	[tilespmem:v13+s14+$0x0] =	vst.idx.add.f32.msk $0xffff, v2;
	v13 =	vand.u32 $0x1FFFF0, v17  }
0x42: {  	v10 =	vadd.s32 v4, v10;
	s20 =	sor.u32 s24, s20;
	[tilespmem:v9+s14+$0x0] =	vst.idx.add.f32.msk $0xffff, v2;
	v9 =	vand.u32 $0x1FFFF0, v15;
	v13 =	vadd.s32 v4, v13  }
0x43: {  	v7 =	vadd.f32 $1.000000000e+00, v7;
	s20 =	sor.u32 s23, s20;
	v9 =	vadd.s32 v4, v9;
	v15 =	vadd.f32 $1.000000000e+00, v16;
	[tilespmem:v11+s14+$0x0] =	vst.idx.add.f32.msk $0xffff, v2  }
0x44: {  	v5 =	vand.u32 $0x1FFFF0, v5;
	v8 =	vadd.f32 $1.000000000e+00, v8;
	v6 =	vadd.f32 $1.000000000e+00, v6;
	[tilespmem:v18+s14+$0x0] =	vst.idx.add.f32.msk $0xffff, v2  }
0x45: {  	v5 =	vadd.s32 v4, v5;
	v16 =	vadd.f32 $1.000000000e+00, v20;
	v11 =	vld [tilespmem:s20+$0x420];
	v15 =	vshrl.u32 v15, $0xB  }
0x46: {  	v7 =	vshrl.u32 v7, $0xB;
	v8 =	vshrl.u32 v8, $0xB;
	v17 =	vld [tilespmem:s20+$0x410];
	v15 =	vand.u32 $0x1FFFF0, v15  }
0x47: {  	v7 =	vand.u32 $0x1FFFF0, v7;
	v8 =	vand.u32 $0x1FFFF0, v8;
	v16 =	vshrl.u32 v16, $0xB;
	[tilespmem:v13+s14+$0x0] =	vst.idx.add.f32.msk $0xffff, v2  }
0x48: {  	v6 =	vshrl.u32 v6, $0xB;
	v7 =	vadd.s32 v4, v7;
	v13 =	vand.u32 $0x1FFFF0, v16;
	[tilespmem:v10+s14+$0x0] =	vst.idx.add.f32.msk $0xffff, v2  }
0x49: {  	v6 =	vand.u32 $0x1FFFF0, v6;
	v10 =	vld [tilespmem:s20+$0x440]  }
0x4a: {  	v15 =	vadd.s32 v4, v15;
	v16 =	vld [tilespmem:s20+$0x450]  }
0x4b: {  	v17 =	vadd.f32 $1.000000000e+00, v17;
	[tilespmem:v9+s14+$0x0] =	vst.idx.add.f32.msk $0xffff, v2  }
0x4c: {  	v13 =	vadd.s32 v4, v13;
	v9 =	vld [tilespmem:s20+$0x470]  }
0x4d: {  	v8 =	vadd.s32 v4, v8;
	v18 =	vld [tilespmem:s20+$0x20]  }
0x4e: {  	v19 =	vld [tilespmem:s20+$0x0]  }
0x4f: {  	v20 =	vld [tilespmem:s20+$0x460]  }
0x50: {  	v21 =	vld [tilespmem:s20+$0x30]  }
0x51: {  	v22 =	vld [tilespmem:s20+$0x50]  }
0x52: {  	[tilespmem:v15+s14+$0x0] =	vst.idx.add.f32.msk $0xffff, v2  }
0x53: {  	v6 =	vadd.s32 v4, v6;
	[tilespmem:v8+s14+$0x0] =	vst.idx.add.f32.msk $0xffff, v2  }
0x54: {  	v8 =	vld [tilespmem:s20+$0x400]  }
0x55: {  	v10 =	vadd.f32 $1.000000000e+00, v10;
	v15 =	vadd.f32 $1.000000000e+00, v21;
	[tilespmem:v13+s14+$0x0] =	vst.idx.add.f32.msk $0xffff, v2  }
0x56: {  	v21 =	vadd.f32 $1.000000000e+00, v19;
	v19 =	vadd.f32 $1.000000000e+00, v20;
	[tilespmem:v5+s14+$0x0] =	vst.idx.add.f32.msk $0xffff, v2  }
0x57: {  	v11 =	vadd.f32 $1.000000000e+00, v11;
	v5 =	vadd.f32 $1.000000000e+00, v18;
	v13 =	vshrl.u32 v15, $0xB;
	[tilespmem:v7+s14+$0x0] =	vst.idx.add.f32.msk $0xffff, v2  }
0x58: {  	v7 =	vshrl.u32 v10, $0xB;
	v15 =	vadd.f32 $1.000000000e+00, v16;
	v13 =	vand.u32 $0x1FFFF0, v13;
	[tilespmem:v6+s14+$0x0] =	vst.idx.add.f32.msk $0xffff, v2  }
0x59: {  	v11 =	vshrl.u32 v11, $0xB;
	v6 =	vand.u32 $0x1FFFF0, v7;
	v10 =	vadd.f32 $1.000000000e+00, v8;
	[tilespmem:v14+s14+$0x0] =	vst.idx.add.f32.msk $0xffff, v2  }
.Ltmp3:
0x5a: {  	v16 =	vadd.f32 $1.000000000e+00, v9;
	v8 =	vshrl.u32 v17, $0xB;
	v14 =	vshrl.u32 v15, $0xB;
	[tilespmem:v12+s14+$0x0] =	vst.idx.add.f32.msk $0xffff, v2;
	(pc) =	sbr.rel @p0 .LBB2_5-.Ltmp3, $4  }
0x5b: {  	v15 =	vadd.s32 v4, v6;
	v18 =	vand.u32 $0x1FFFF0, v8;
	v6 =	vand.u32 $0x1FFFF0, v14;
	v7 =	vld [tilespmem:s20+$0x40]  }
0x5c: {  	v9 =	vadd.s32 v4, v13;
	v12 =	vshrl.u32 v19, $0xB;
	v13 =	vadd.s32 v4, v6;
	v8 =	vld [tilespmem:s20+$0x430]  }
0x5d: {  	v11 =	vand.u32 $0x1FFFF0, v11;
	v17 =	vshrl.u32 v16, $0xB;
	v19 =	vadd.f32 $1.000000000e+00, v22;
	v6 =	vld [tilespmem:s20+$0x10]  }
0x5e: {  	v11 =	vadd.s32 v4, v11;
	v14 =	vshrl.u32 v21, $0xB;
	v12 =	vand.u32 $0x1FFFF0, v12;
	v16 =	vld [tilespmem:s20+$0x70]  }
0x5f: {  	_ =	sdelay $0x1  }
0x60: {  	v18 =	vadd.s32 v4, v18;
	v10 =	vshrl.u32 v10, $0xB  }
0x61: {  	v20 =	vld [tilespmem:s20+$0x60];
	v5 =	vshrl.u32 v5, $0xB;
	v19 =	vshrl.u32 v19, $0xB;
	v17 =	vand.u32 $0x1FFFF0, v17  }
0x62: {  	[tilespmem:v15+s14+$0x0] =	vst.idx.add.f32.msk $0xffff, v2;
	v10 =	vand.u32 $0x1FFFF0, v10;
	v19 =	vand.u32 $0x1FFFF0, v19;
	v15 =	vadd.s32 v4, v17  }
0x63: {  	v7 =	vadd.f32 $1.000000000e+00, v7;
	v5 =	vand.u32 $0x1FFFF0, v5;
	v10 =	vadd.s32 v4, v10  }
0x64: {  	[tilespmem:v9+s14+$0x0] =	vst.idx.add.f32.msk $0xffff, v2;
	v8 =	vadd.f32 $1.000000000e+00, v8;
	v9 =	vadd.s32 v4, v19;
	v5 =	vadd.s32 v4, v5  }
0x65: {  	[tilespmem:v13+s14+$0x0] =	vst.idx.add.f32.msk $0xffff, v2;
	s20 =	sshll.u32 s19, $0x1;
	p0 =	seq.s32 s19, $0xB;
	v6 =	vadd.f32 $1.000000000e+00, v6;
	v7 =	vshrl.u32 v7, $0xB;
	v16 =	vadd.f32 $1.000000000e+00, v16  }
0x66: {  	[tilespmem:v11+s14+$0x0] =	vst.idx.add.f32.msk $0xffff, v2;
	s21 =	sadd.s32 @!p0 $0x2, s20;
	v8 =	vshrl.u32 v8, $0xB;
	v7 =	vand.u32 $0x1FFFF0, v7;
	v13 =	vadd.f32 $1.000000000e+00, v20  }
0x67: {  	s22 =	sshrl.u32 @!p0 s21, $0x3;
	v8 =	vand.u32 $0x1FFFF0, v8;
	[tilespmem:v18+s14+$0x0] =	vst.idx.add.f32.msk $0xffff, v2;
	v6 =	vshrl.u32 v6, $0xB;
	v7 =	vadd.s32 v4, v7  }
0x68: {  	s22 =	sadd.s32 @!p0 s5, s22;
	v16 =	vshrl.u32 v16, $0xB;
	v8 =	vadd.s32 v4, v8;
	[tilespmem:v15+s14+$0x0] =	vst.idx.add.f32.msk $0xffff, v2;
	v6 =	vand.u32 $0x1FFFF0, v6  }
0x69: {  	s23 =	smulhi.u32 @!p0 $0x55555556, s22;
	v16 =	vand.u32 $0x1FFFF0, v16;
	[tilespmem:v10+s14+$0x0] =	vst.idx.add.f32.msk $0xffff, v2;
	v6 =	vadd.s32 v4, v6  }
0x6a: {  	v11 =	vshrl.u32 v13, $0xB;
	[tilespmem:v9+s14+$0x0] =	vst.idx.add.f32.msk $0xffff, v2;
	v9 =	vand.u32 $0x1FFFF0, v14;
	v13 =	vadd.s32 v4, v16  }
0x6b: {  	s24 =	smul.u32 @!p0 $0x3, s23;
	[tilespmem:v5+s14+$0x0] =	vst.idx.add.f32.msk $0xffff, v2;
	v11 =	vand.u32 $0x1FFFF0, v11;
	v9 =	vadd.s32 v4, v9  }
0x6c: {  	v11 =	vadd.s32 v4, v11;
	[tilespmem:v7+s14+$0x0] =	vst.idx.add.f32.msk $0xffff, v2  }
0x6d: {  	s23 =	smul.u32 @!p0 $0xC0000, s23;
	s22 =	ssub.s32 @!p0 s22, s24;
	[tilespmem:v8+s14+$0x0] =	vst.idx.add.f32.msk $0xffff, v2;
	v8 =	vadd.s32 v4, v12  }
0x6e: {  	s21 =	sshll.u32 @!p0 s21, $0xF;
	s22 =	sshll.u32 @!p0 s22, $0x12;
	[tilespmem:v6+s14+$0x0] =	vst.idx.add.f32.msk $0xffff, v2  }
0x6f: {  	s21 =	sand.u32 @!p0 $0x30000, s21;
	s22 =	sadd.s32 @!p0 s22, s23;
	[tilespmem:v13+s14+$0x0] =	vst.idx.add.f32.msk $0xffff, v2  }
0x70: {  	s21 =	sor.u32 @!p0 s21, s22;
	[tilespmem:v9+s14+$0x0] =	vst.idx.add.f32.msk $0xffff, v2  }
0x71: {  	s21 =	sshrl.u32 @!p0 s21, $0x3;
	[tilespmem:v11+s14+$0x0] =	vst.idx.add.f32.msk $0xffff, v2  }
0x72: {  	s22 =	simm.s32 @!p0 $0x0;
	s21 =	sadd.s32 @!p0 s1, s21;
	[tilespmem:v8+s14+$0x0] =	vst.idx.add.f32.msk $0xffff, v2  }
0x73: {  	[tilespmem:s22], [sflag:$0x1] =	stream.linear.gather @!p0 [hbm4b:s21+s22], $0x8000, $0x38;
	[tilespmem:$0x13000] =	vst v63  }
0x74: {  	s29 =	simm.s32 $0x0;
	s30 =	simm.s32 $0x0;
	s21 =	simm.s32 $0x0  }
0x75: {  	s22 =	sand.u32 $0x7000, s29;
	_ =	swait.ge [sflag:s15], $0x8000;
	s31 =	sand.u32 $0x800, s21  }
0x76: {  	s23 =	sand.u32 $0x380, s30;
	[sflag:s15] =	ssyncset.done $0x0;
	s22 =	sor.u32 s31, s22  }
0x77: {  	[sflag:s15] =	ssyncadd.s32 $0xFFFF8000;
	s22 =	sor.u32 s23, s22  }
0x78: {  	v6 =	vld [tilespmem:s22+$0x8420]  }
0x79: {  	v5 =	vld [tilespmem:s22+$0x8410]  }
0x7a: {  	v7 =	vld [tilespmem:s22+$0x8440]  }
0x7b: {  	v8 =	vld [tilespmem:s22+$0x8000]  }
0x7c: {  	v9 =	vld [tilespmem:s22+$0x8030]  }
0x7d: {  	v10 =	vld [tilespmem:s22+$0x8460]  }
0x7e: {  	v11 =	vld [tilespmem:s22+$0x8020]  }
0x7f: {  	v14 =	vld [tilespmem:s22+$0x8400]  }
0x80: {  	v15 =	vld [tilespmem:s22+$0x8470]  }
0x81: {  	v12 =	vld [tilespmem:s22+$0x8450];
	v13 =	vadd.f32 $1.000000000e+00, v5  }
0x82: {  	v9 =	vadd.f32 $1.000000000e+00, v9;
	v7 =	vadd.f32 $1.000000000e+00, v7  }
0x83: {  	v16 =	vadd.f32 $1.000000000e+00, v8;
	v17 =	vadd.f32 $1.000000000e+00, v10  }
0x84: {  	v5 =	vadd.f32 $1.000000000e+00, v11;
	v6 =	vadd.f32 $1.000000000e+00, v6  }
0x85: {  	v10 =	vadd.f32 $1.000000000e+00, v14;
	v15 =	vadd.f32 $1.000000000e+00, v15  }
0x86: {  	v11 =	vld [tilespmem:s22+$0x8050];
	v8 =	vshrl.u32 v9, $0xB;
	v7 =	vshrl.u32 v7, $0xB;
	v9 =	vadd.f32 $1.000000000e+00, v12  }
0x87: {  	v14 =	vshrl.u32 v6, $0xB;
	v12 =	vshrl.u32 v13, $0xB;
	v20 =	vshrl.u32 v17, $0xB  }
0x88: {  	v17 =	vshrl.u32 v15, $0xB;
	v7 =	vand.u32 $0x1FFFF0, v7;
	v9 =	vshrl.u32 v9, $0xB  }
0x89: {  	v6 =	vld [tilespmem:s22+$0x8040];
	v15 =	vshrl.u32 v16, $0xB;
	v13 =	vadd.s32 v4, v7;
	v7 =	vand.u32 $0x1FFFF0, v9  }
0x8a: {  	v16 =	vld [tilespmem:s22+$0x8070];
	v8 =	vand.u32 $0x1FFFF0, v8;
	v18 =	vand.u32 $0x1FFFF0, v12;
	v12 =	vadd.s32 v4, v7  }
0x8b: {  	v9 =	vadd.s32 v4, v8;
	v8 =	vld [tilespmem:s22+$0x8430];
	v19 =	vadd.f32 $1.000000000e+00, v11;
	v11 =	vand.u32 $0x1FFFF0, v14  }
0x8c: {  	s23 =	simm.s32 $0x0;
	v14 =	vand.u32 $0x1FFFF0, v20;
	v7 =	vld [tilespmem:s22+$0x8010];
	v11 =	vadd.s32 v4, v11  }
.LBB2_7:
0x8d: {  	s23 =	sadd.s32 $0x10, s23;
	v15 =	vand.u32 $0x1FFFF0, v15;
	v20 =	vld [tilespmem:s22+$0x8060];
	v18 =	vadd.s32 v4, v18;
	v14 =	vadd.s32 v4, v14;
	s21 =	sadd.s32 $0x800, s21  }
0x8e: {  	v5 =	vshrl.u32 v5, $0xB;
	v10 =	vshrl.u32 v10, $0xB;
	s22 =	sshll.u32 s23, $0x4;
	s24 =	sshll.u32 s23, $0x2;
	p1 =	slt.u32 s23, $0x7F0;
	v15 =	vadd.s32 v4, v15;
	[tilespmem:v13+s14+$0x0] =	vst.idx.add.f32.msk $0xffff, v2  }
0x8f: {  	s25 =	sand.u32 $0x800, s21;
	v13 =	vshrl.u32 v19, $0xB;
	v10 =	vand.u32 $0x1FFFF0, v10;
	s22 =	sand.u32 $0x7000, s22;
	s24 =	sand.u32 $0x380, s24;
	[tilespmem:v12+s14+$0x0] =	vst.idx.add.f32.msk $0xffff, v2;
	v12 =	vand.u32 $0x1FFFF0, v17  }
0x90: {  	v10 =	vadd.s32 v4, v10;
	s22 =	sor.u32 s25, s22;
	[tilespmem:v9+s14+$0x0] =	vst.idx.add.f32.msk $0xffff, v2;
	v9 =	vand.u32 $0x1FFFF0, v13;
	v12 =	vadd.s32 v4, v12  }
0x91: {  	v6 =	vadd.f32 $1.000000000e+00, v6;
	s22 =	sor.u32 s24, s22;
	v9 =	vadd.s32 v4, v9;
	v13 =	vadd.f32 $1.000000000e+00, v16;
	[tilespmem:v11+s14+$0x0] =	vst.idx.add.f32.msk $0xffff, v2  }
0x92: {  	v5 =	vand.u32 $0x1FFFF0, v5;
	v8 =	vadd.f32 $1.000000000e+00, v8;
	v7 =	vadd.f32 $1.000000000e+00, v7;
	[tilespmem:v18+s14+$0x0] =	vst.idx.add.f32.msk $0xffff, v2  }
0x93: {  	v5 =	vadd.s32 v4, v5;
	v16 =	vadd.f32 $1.000000000e+00, v20;
	v11 =	vld [tilespmem:s22+$0x8420];
	v13 =	vshrl.u32 v13, $0xB  }
0x94: {  	v6 =	vshrl.u32 v6, $0xB;
	v8 =	vshrl.u32 v8, $0xB;
	v17 =	vld [tilespmem:s22+$0x8410];
	v13 =	vand.u32 $0x1FFFF0, v13  }
0x95: {  	v6 =	vand.u32 $0x1FFFF0, v6;
	v8 =	vand.u32 $0x1FFFF0, v8;
	v16 =	vshrl.u32 v16, $0xB;
	[tilespmem:v12+s14+$0x0] =	vst.idx.add.f32.msk $0xffff, v2  }
0x96: {  	v7 =	vshrl.u32 v7, $0xB;
	v6 =	vadd.s32 v4, v6;
	v12 =	vand.u32 $0x1FFFF0, v16;
	[tilespmem:v10+s14+$0x0] =	vst.idx.add.f32.msk $0xffff, v2  }
0x97: {  	v7 =	vand.u32 $0x1FFFF0, v7;
	v10 =	vld [tilespmem:s22+$0x8440]  }
0x98: {  	v13 =	vadd.s32 v4, v13;
	v16 =	vld [tilespmem:s22+$0x8450]  }
0x99: {  	v17 =	vadd.f32 $1.000000000e+00, v17;
	[tilespmem:v9+s14+$0x0] =	vst.idx.add.f32.msk $0xffff, v2  }
0x9a: {  	v12 =	vadd.s32 v4, v12;
	v9 =	vld [tilespmem:s22+$0x8470]  }
0x9b: {  	v8 =	vadd.s32 v4, v8;
	v18 =	vld [tilespmem:s22+$0x8020]  }
0x9c: {  	v19 =	vld [tilespmem:s22+$0x8000]  }
0x9d: {  	v20 =	vld [tilespmem:s22+$0x8460]  }
0x9e: {  	v21 =	vld [tilespmem:s22+$0x8030]  }
0x9f: {  	v22 =	vld [tilespmem:s22+$0x8050]  }
0xa0: {  	[tilespmem:v13+s14+$0x0] =	vst.idx.add.f32.msk $0xffff, v2  }
0xa1: {  	v7 =	vadd.s32 v4, v7;
	[tilespmem:v8+s14+$0x0] =	vst.idx.add.f32.msk $0xffff, v2  }
0xa2: {  	v8 =	vld [tilespmem:s22+$0x8400]  }
0xa3: {  	v10 =	vadd.f32 $1.000000000e+00, v10;
	v13 =	vadd.f32 $1.000000000e+00, v21;
	[tilespmem:v12+s14+$0x0] =	vst.idx.add.f32.msk $0xffff, v2  }
0xa4: {  	v21 =	vadd.f32 $1.000000000e+00, v19;
	v19 =	vadd.f32 $1.000000000e+00, v20;
	[tilespmem:v5+s14+$0x0] =	vst.idx.add.f32.msk $0xffff, v2  }
0xa5: {  	v11 =	vadd.f32 $1.000000000e+00, v11;
	v5 =	vadd.f32 $1.000000000e+00, v18;
	v12 =	vshrl.u32 v13, $0xB;
	[tilespmem:v6+s14+$0x0] =	vst.idx.add.f32.msk $0xffff, v2  }
0xa6: {  	v6 =	vshrl.u32 v10, $0xB;
	v13 =	vadd.f32 $1.000000000e+00, v16;
	v12 =	vand.u32 $0x1FFFF0, v12;
	[tilespmem:v7+s14+$0x0] =	vst.idx.add.f32.msk $0xffff, v2  }
0xa7: {  	v11 =	vshrl.u32 v11, $0xB;
	v7 =	vand.u32 $0x1FFFF0, v6;
	v10 =	vadd.f32 $1.000000000e+00, v8;
	[tilespmem:v15+s14+$0x0] =	vst.idx.add.f32.msk $0xffff, v2  }
.Ltmp4:
0xa8: {  	v16 =	vadd.f32 $1.000000000e+00, v9;
	v8 =	vshrl.u32 v17, $0xB;
	v15 =	vshrl.u32 v13, $0xB;
	[tilespmem:v14+s14+$0x0] =	vst.idx.add.f32.msk $0xffff, v2;
	(pc) =	sbr.rel @p1 .LBB2_7-.Ltmp4, $4  }
0xa9: {  	v13 =	vadd.s32 v4, v7;
	v18 =	vand.u32 $0x1FFFF0, v8;
	v7 =	vand.u32 $0x1FFFF0, v15;
	v6 =	vld [tilespmem:s22+$0x8040]  }
0xaa: {  	v9 =	vadd.s32 v4, v12;
	v14 =	vshrl.u32 v19, $0xB;
	v12 =	vadd.s32 v4, v7;
	v8 =	vld [tilespmem:s22+$0x8430]  }
0xab: {  	v11 =	vand.u32 $0x1FFFF0, v11;
	v17 =	vshrl.u32 v16, $0xB;
	v19 =	vadd.f32 $1.000000000e+00, v22;
	v7 =	vld [tilespmem:s22+$0x8010]  }
0xac: {  	v11 =	vadd.s32 v4, v11;
	v15 =	vshrl.u32 v21, $0xB;
	v14 =	vand.u32 $0x1FFFF0, v14;
	v16 =	vld [tilespmem:s22+$0x8070]  }
0xad: {  	_ = 	snop  }
0xae: {  	v18 =	vadd.s32 v4, v18  }
0xaf: {  	v10 =	vshrl.u32 v10, $0xB;
	v5 =	vshrl.u32 v5, $0xB;
	v19 =	vshrl.u32 v19, $0xB  }
0xb0: {  	v20 =	vld [tilespmem:s22+$0x8060];
	v17 =	vand.u32 $0x1FFFF0, v17;
	v63 =	vand.u32 $0x1FFFF0, v15;
	v10 =	vand.u32 $0x1FFFF0, v10  }
0xb1: {  	[tilespmem:v13+s14+$0x0] =	vst.idx.add.f32.msk $0xffff, v2;
	v19 =	vand.u32 $0x1FFFF0, v19;
	v58 =	vadd.s32 v4, v17;
	v6 =	vadd.f32 $1.000000000e+00, v6  }
0xb2: {  	[tilespmem:v9+s14+$0x0] =	vst.idx.add.f32.msk $0xffff, v2;
	v5 =	vand.u32 $0x1FFFF0, v5;
	v9 =	vadd.s32 v4, v63;
	v10 =	vadd.s32 v4, v10  }
0xb3: {  	[tilespmem:v12+s14+$0x0] =	vst.idx.add.f32.msk $0xffff, v2;
	v8 =	vadd.f32 $1.000000000e+00, v8;
	v60 =	vadd.s32 v4, v19;
	v5 =	vadd.s32 v4, v5  }
0xb4: {  	[tilespmem:v11+s14+$0x0] =	vst.idx.add.f32.msk $0xffff, v2;
	v7 =	vadd.f32 $1.000000000e+00, v7;
	v6 =	vshrl.u32 v6, $0xB;
	v16 =	vadd.f32 $1.000000000e+00, v16  }
0xb5: {  	v8 =	vshrl.u32 v8, $0xB;
	v6 =	vand.u32 $0x1FFFF0, v6;
	v59 =	vadd.f32 $1.000000000e+00, v20;
	[tilespmem:v18+s14+$0x0] =	vst.idx.add.f32.msk $0xffff, v2  }
0xb6: {  	v8 =	vand.u32 $0x1FFFF0, v8;
	v7 =	vshrl.u32 v7, $0xB;
	v6 =	vadd.s32 v4, v6;
	[tilespmem:v58+s14+$0x0] =	vst.idx.add.f32.msk $0xffff, v2  }
0xb7: {  	v16 =	vshrl.u32 v16, $0xB;
	v8 =	vadd.s32 v4, v8;
	v7 =	vand.u32 $0x1FFFF0, v7;
	[tilespmem:v9+s14+$0x0] =	vst.idx.add.f32.msk $0xffff, v2  }
0xb8: {  	v16 =	vand.u32 $0x1FFFF0, v16;
	v61 =	vshrl.u32 v59, $0xB;
	[tilespmem:v10+s14+$0x0] =	vst.idx.add.f32.msk $0xffff, v2;
	v7 =	vadd.s32 v4, v7  }
0xb9: {  	[tilespmem:v60+s14+$0x0] =	vst.idx.add.f32.msk $0xffff, v2;
	v62 =	vadd.s32 v4, v16;
	v11 =	vand.u32 $0x1FFFF0, v61  }
0xba: {  	[tilespmem:v5+s14+$0x0] =	vst.idx.add.f32.msk $0xffff, v2;
	v11 =	vadd.s32 v4, v11  }
0xbb: {  	v4 =	vadd.s32 v4, v14;
	[tilespmem:v6+s14+$0x0] =	vst.idx.add.f32.msk $0xffff, v2  }
.Ltmp5:
0xbc: {  	[tilespmem:v8+s14+$0x0] =	vst.idx.add.f32.msk $0xffff, v2;
	(pc) =	sbr.rel @p0 .LBB2_10-.Ltmp5, $4  }
0xbd: {  	[tilespmem:v7+s14+$0x0] =	vst.idx.add.f32.msk $0xffff, v2  }
0xbe: {  	[tilespmem:v62+s14+$0x0] =	vst.idx.add.f32.msk $0xffff, v2  }
0xbf: {  	[tilespmem:v11+s14+$0x0] =	vst.idx.add.f32.msk $0xffff, v2  }
0xc0: {  	[tilespmem:v4+s14+$0x0] =	vst.idx.add.f32.msk $0xffff, v2  }
0xc1: {  	s20 =	sadd.s32 $0x3, s20  }
0xc2: {  	s21 =	sshrl.u32 s20, $0x3  }
0xc3: {  	s21 =	sadd.s32 s5, s21  }
0xc4: {  	s22 =	smulhi.u32 $0x55555556, s21;
	_ =	sdelay $0x1  }
0xc5: {  	s23 =	smul.u32 $0x3, s22;
	_ =	sdelay $0x1  }
0xc6: {  	s22 =	smul.u32 $0xC0000, s22;
	s21 =	ssub.s32 s21, s23  }
0xc7: {  	s20 =	sshll.u32 s20, $0xF;
	s21 =	sshll.u32 s21, $0x12  }
.Ltmp6:
0xc8: {  	s20 =	sand.u32 $0x38000, s20;
	s21 =	sadd.s32 s21, s22;
	(pc) =	sbr.rel .LBB2_4-.Ltmp6, $4  }
0xc9: {  	s20 =	sor.u32 s20, s21  }
0xca: {  	s20 =	sshrl.u32 s20, $0x3  }
0xcb: {  	s19 =	sadd.s32 $0x1, s19;
	s20 =	sadd.s32 s1, s20  }
0xcc: {  	[tilespmem:s12], [sflag:$0x2] =	stream.linear.gather [hbm4b:s20+s4], $0x8000, $0x38;
	[tilespmem:$0x13000] =	vst v63  }
.LBB2_10:
0xcd: {  	s18 =	simm.s32 $0x0  }
0xce: {  	[tilespmem:s18], [sflag:$0x1] =	stream.linear.gather [hbm4b:s8+s18], $0x8000, $0x38;
	[tilespmem:$0x13000] =	vst v63  }
0xcf: {  	s19 =	simm.s32 $0x0  }
0xd0: {  	[tilespmem:s12], [sflag:$0x2] =	stream.linear.gather [hbm4b:s9+s18], $0x8000, $0x38;
	[tilespmem:$0x13000] =	vst v63  }
.LBB2_11:
0xd1: {  	_ =	swait.ge [sflag:s13], $0x8000;
	s20 =	simm.s32 $0x0  }
0xd2: {  	s21 =	simm.s32 $0x0;
	s22 =	sand.u32 $0x800, s18;
	s20 =	sand.u32 $0x7000, s20  }
0xd3: {  	[sflag:s13] =	ssyncset.done $0x0;
	s21 =	sand.u32 $0x380, s21;
	s20 =	sor.u32 s22, s20  }
0xd4: {  	[sflag:s13] =	ssyncadd.s32 $0xFFFF8000;
	s20 =	sor.u32 s21, s20  }
0xd5: {  	v6 =	vld [tilespmem:s20+$0x420]  }
0xd6: {  	v4 =	vld [tilespmem:s20+$0x410]  }
0xd7: {  	v5 =	vld [tilespmem:s20+$0x440]  }
0xd8: {  	v7 =	vld [tilespmem:s20+$0x0]  }
0xd9: {  	v8 =	vld [tilespmem:s20+$0x30]  }
0xda: {  	v9 =	vld [tilespmem:s20+$0x460]  }
0xdb: {  	v11 =	vld [tilespmem:s20+$0x450]  }
0xdc: {  	v14 =	vld [tilespmem:s20+$0x470];
	_ =	sdelay $0x1  }
0xdd: {  	s31 =	sshll.u32 s19, $0xA;
	v12 =	vadd.f32 $1.000000000e+00, v4;
	v8 =	vadd.f32 $1.000000000e+00, v8  }
0xde: {  	s21 =	sand.u32 $0x3000, s31;
	v15 =	vadd.f32 $1.000000000e+00, v5;
	v17 =	vadd.f32 $1.000000000e+00, v9  }
0xdf: {  	v10 =	vld [tilespmem:s20+$0x20];
	v4 =	vadd.s32 s21, v1;
	v6 =	vadd.f32 $1.000000000e+00, v6;
	v9 =	vadd.f32 $1.000000000e+00, v11  }
0xe0: {  	v13 =	vld [tilespmem:s20+$0x400];
	v16 =	vadd.f32 $1.000000000e+00, v7;
	v14 =	vadd.f32 $1.000000000e+00, v14;
	v7 =	vshrl.u32 v8, $0xB  }
0xe1: {  	v11 =	vshrl.u32 v6, $0xB;
	v12 =	vshrl.u32 v12, $0xB;
	v9 =	vshrl.u32 v9, $0xB  }
0xe2: {  	v19 =	vld [tilespmem:s20+$0x50];
	v8 =	vand.u32 $0x1FFFF0, v7;
	v7 =	vshrl.u32 v15, $0xB;
	v18 =	vand.u32 $0x1FFFF0, v12  }
0xe3: {  	v12 =	vshrl.u32 v17, $0xB;
	v17 =	vshrl.u32 v14, $0xB;
	v6 =	vand.u32 $0x1FFFF0, v7  }
0xe4: {  	v14 =	vshrl.u32 v16, $0xB;
	v16 =	vld [tilespmem:s20+$0x70];
	v15 =	vadd.s32 v4, v6;
	v6 =	vand.u32 $0x1FFFF0, v9  }
0xe5: {  	v5 =	vadd.f32 $1.000000000e+00, v10;
	v10 =	vadd.f32 $1.000000000e+00, v13;
	v7 =	vld [tilespmem:s20+$0x40];
	v13 =	vadd.s32 v4, v6  }
0xe6: {  	v11 =	vand.u32 $0x1FFFF0, v11;
	v9 =	vadd.s32 v4, v8;
	v8 =	vld [tilespmem:s20+$0x430]  }
0xe7: {  	s22 =	simm.s32 $0x0;
	v19 =	vadd.f32 $1.000000000e+00, v19;
	s21 =	simm.s32 $0x0;
	v11 =	vadd.s32 v4, v11;
	v12 =	vand.u32 $0x1FFFF0, v12;
	v6 =	vld [tilespmem:s20+$0x10]  }
.LBB2_12:
0xe8: {  	s21 =	sadd.s32 $0x10, s21;
	v14 =	vand.u32 $0x1FFFF0, v14;
	v20 =	vld [tilespmem:s20+$0x60];
	v18 =	vadd.s32 v4, v18;
	v12 =	vadd.s32 v4, v12;
	s22 =	sadd.s32 $0x800, s22  }
0xe9: {  	v5 =	vshrl.u32 v5, $0xB;
	v10 =	vshrl.u32 v10, $0xB;
	s20 =	sshll.u32 s21, $0x4;
	s23 =	sshll.u32 s21, $0x2;
	p0 =	slt.u32 s21, $0x7F0;
	v14 =	vadd.s32 v4, v14;
	[tilespmem:v15+s14+$0x0] =	vst.idx.add.f32.msk $0xffff, v3  }
0xea: {  	s24 =	sand.u32 $0x800, s22;
	v15 =	vshrl.u32 v19, $0xB;
	v10 =	vand.u32 $0x1FFFF0, v10;
	s20 =	sand.u32 $0x7000, s20;
	s23 =	sand.u32 $0x380, s23;
	[tilespmem:v13+s14+$0x0] =	vst.idx.add.f32.msk $0xffff, v3;
	v13 =	vand.u32 $0x1FFFF0, v17  }
0xeb: {  	v10 =	vadd.s32 v4, v10;
	s20 =	sor.u32 s24, s20;
	[tilespmem:v9+s14+$0x0] =	vst.idx.add.f32.msk $0xffff, v3;
	v9 =	vand.u32 $0x1FFFF0, v15;
	v13 =	vadd.s32 v4, v13  }
0xec: {  	v7 =	vadd.f32 $1.000000000e+00, v7;
	s20 =	sor.u32 s23, s20;
	v9 =	vadd.s32 v4, v9;
	v15 =	vadd.f32 $1.000000000e+00, v16;
	[tilespmem:v11+s14+$0x0] =	vst.idx.add.f32.msk $0xffff, v3  }
0xed: {  	v5 =	vand.u32 $0x1FFFF0, v5;
	v8 =	vadd.f32 $1.000000000e+00, v8;
	v6 =	vadd.f32 $1.000000000e+00, v6;
	[tilespmem:v18+s14+$0x0] =	vst.idx.add.f32.msk $0xffff, v3  }
0xee: {  	v5 =	vadd.s32 v4, v5;
	v16 =	vadd.f32 $1.000000000e+00, v20;
	v11 =	vld [tilespmem:s20+$0x420];
	v15 =	vshrl.u32 v15, $0xB  }
0xef: {  	v7 =	vshrl.u32 v7, $0xB;
	v8 =	vshrl.u32 v8, $0xB;
	v17 =	vld [tilespmem:s20+$0x410];
	v15 =	vand.u32 $0x1FFFF0, v15  }
0xf0: {  	v7 =	vand.u32 $0x1FFFF0, v7;
	v8 =	vand.u32 $0x1FFFF0, v8;
	v16 =	vshrl.u32 v16, $0xB;
	[tilespmem:v13+s14+$0x0] =	vst.idx.add.f32.msk $0xffff, v3  }
0xf1: {  	v6 =	vshrl.u32 v6, $0xB;
	v7 =	vadd.s32 v4, v7;
	v13 =	vand.u32 $0x1FFFF0, v16;
	[tilespmem:v10+s14+$0x0] =	vst.idx.add.f32.msk $0xffff, v3  }
0xf2: {  	v6 =	vand.u32 $0x1FFFF0, v6;
	v10 =	vld [tilespmem:s20+$0x440]  }
0xf3: {  	v15 =	vadd.s32 v4, v15;
	v16 =	vld [tilespmem:s20+$0x450]  }
0xf4: {  	v17 =	vadd.f32 $1.000000000e+00, v17;
	[tilespmem:v9+s14+$0x0] =	vst.idx.add.f32.msk $0xffff, v3  }
0xf5: {  	v13 =	vadd.s32 v4, v13;
	v9 =	vld [tilespmem:s20+$0x470]  }
0xf6: {  	v8 =	vadd.s32 v4, v8;
	v18 =	vld [tilespmem:s20+$0x20]  }
0xf7: {  	v19 =	vld [tilespmem:s20+$0x0]  }
0xf8: {  	v20 =	vld [tilespmem:s20+$0x460]  }
0xf9: {  	v21 =	vld [tilespmem:s20+$0x30]  }
0xfa: {  	v22 =	vld [tilespmem:s20+$0x50]  }
0xfb: {  	[tilespmem:v15+s14+$0x0] =	vst.idx.add.f32.msk $0xffff, v3  }
0xfc: {  	v6 =	vadd.s32 v4, v6;
	[tilespmem:v8+s14+$0x0] =	vst.idx.add.f32.msk $0xffff, v3  }
0xfd: {  	v8 =	vld [tilespmem:s20+$0x400]  }
0xfe: {  	v10 =	vadd.f32 $1.000000000e+00, v10;
	v15 =	vadd.f32 $1.000000000e+00, v21;
	[tilespmem:v13+s14+$0x0] =	vst.idx.add.f32.msk $0xffff, v3  }
0xff: {  	v21 =	vadd.f32 $1.000000000e+00, v19;
	v19 =	vadd.f32 $1.000000000e+00, v20;
	[tilespmem:v5+s14+$0x0] =	vst.idx.add.f32.msk $0xffff, v3  }
0x100: {  	v11 =	vadd.f32 $1.000000000e+00, v11;
	v5 =	vadd.f32 $1.000000000e+00, v18;
	v13 =	vshrl.u32 v15, $0xB;
	[tilespmem:v7+s14+$0x0] =	vst.idx.add.f32.msk $0xffff, v3  }
0x101: {  	v7 =	vshrl.u32 v10, $0xB;
	v15 =	vadd.f32 $1.000000000e+00, v16;
	v13 =	vand.u32 $0x1FFFF0, v13;
	[tilespmem:v6+s14+$0x0] =	vst.idx.add.f32.msk $0xffff, v3  }
0x102: {  	v11 =	vshrl.u32 v11, $0xB;
	v6 =	vand.u32 $0x1FFFF0, v7;
	v10 =	vadd.f32 $1.000000000e+00, v8;
	[tilespmem:v14+s14+$0x0] =	vst.idx.add.f32.msk $0xffff, v3  }
.Ltmp7:
0x103: {  	v16 =	vadd.f32 $1.000000000e+00, v9;
	v8 =	vshrl.u32 v17, $0xB;
	v14 =	vshrl.u32 v15, $0xB;
	[tilespmem:v12+s14+$0x0] =	vst.idx.add.f32.msk $0xffff, v3;
	(pc) =	sbr.rel @p0 .LBB2_12-.Ltmp7, $4  }
0x104: {  	v15 =	vadd.s32 v4, v6;
	v18 =	vand.u32 $0x1FFFF0, v8;
	v6 =	vand.u32 $0x1FFFF0, v14;
	v7 =	vld [tilespmem:s20+$0x40]  }
0x105: {  	v9 =	vadd.s32 v4, v13;
	v12 =	vshrl.u32 v19, $0xB;
	v13 =	vadd.s32 v4, v6;
	v8 =	vld [tilespmem:s20+$0x430]  }
0x106: {  	v11 =	vand.u32 $0x1FFFF0, v11;
	v17 =	vshrl.u32 v16, $0xB;
	v19 =	vadd.f32 $1.000000000e+00, v22;
	v6 =	vld [tilespmem:s20+$0x10]  }
0x107: {  	v11 =	vadd.s32 v4, v11;
	v14 =	vshrl.u32 v21, $0xB;
	v12 =	vand.u32 $0x1FFFF0, v12;
	v16 =	vld [tilespmem:s20+$0x70]  }
0x108: {  	_ =	sdelay $0x1  }
0x109: {  	v18 =	vadd.s32 v4, v18;
	v10 =	vshrl.u32 v10, $0xB  }
0x10a: {  	v20 =	vld [tilespmem:s20+$0x60];
	v5 =	vshrl.u32 v5, $0xB;
	v19 =	vshrl.u32 v19, $0xB;
	v17 =	vand.u32 $0x1FFFF0, v17  }
0x10b: {  	[tilespmem:v15+s14+$0x0] =	vst.idx.add.f32.msk $0xffff, v3;
	v10 =	vand.u32 $0x1FFFF0, v10;
	v19 =	vand.u32 $0x1FFFF0, v19;
	v15 =	vadd.s32 v4, v17  }
0x10c: {  	v7 =	vadd.f32 $1.000000000e+00, v7;
	v5 =	vand.u32 $0x1FFFF0, v5;
	v10 =	vadd.s32 v4, v10  }
0x10d: {  	[tilespmem:v9+s14+$0x0] =	vst.idx.add.f32.msk $0xffff, v3;
	v8 =	vadd.f32 $1.000000000e+00, v8;
	v9 =	vadd.s32 v4, v19;
	v5 =	vadd.s32 v4, v5  }
0x10e: {  	[tilespmem:v13+s14+$0x0] =	vst.idx.add.f32.msk $0xffff, v3;
	s20 =	sshll.u32 s19, $0x1;
	p0 =	seq.s32 s19, $0xB;
	v6 =	vadd.f32 $1.000000000e+00, v6;
	v7 =	vshrl.u32 v7, $0xB;
	v16 =	vadd.f32 $1.000000000e+00, v16  }
0x10f: {  	[tilespmem:v11+s14+$0x0] =	vst.idx.add.f32.msk $0xffff, v3;
	s21 =	sadd.s32 @!p0 $0x2, s20;
	v8 =	vshrl.u32 v8, $0xB;
	v7 =	vand.u32 $0x1FFFF0, v7;
	v13 =	vadd.f32 $1.000000000e+00, v20  }
0x110: {  	s22 =	sshrl.u32 @!p0 s21, $0x3;
	v8 =	vand.u32 $0x1FFFF0, v8;
	[tilespmem:v18+s14+$0x0] =	vst.idx.add.f32.msk $0xffff, v3;
	v6 =	vshrl.u32 v6, $0xB;
	v7 =	vadd.s32 v4, v7  }
0x111: {  	s22 =	sadd.s32 @!p0 s5, s22;
	v16 =	vshrl.u32 v16, $0xB;
	v8 =	vadd.s32 v4, v8;
	[tilespmem:v15+s14+$0x0] =	vst.idx.add.f32.msk $0xffff, v3;
	v6 =	vand.u32 $0x1FFFF0, v6  }
0x112: {  	s23 =	smulhi.u32 @!p0 $0x55555556, s22;
	v16 =	vand.u32 $0x1FFFF0, v16;
	[tilespmem:v10+s14+$0x0] =	vst.idx.add.f32.msk $0xffff, v3;
	v6 =	vadd.s32 v4, v6  }
0x113: {  	v11 =	vshrl.u32 v13, $0xB;
	[tilespmem:v9+s14+$0x0] =	vst.idx.add.f32.msk $0xffff, v3;
	v9 =	vand.u32 $0x1FFFF0, v14;
	v13 =	vadd.s32 v4, v16  }
0x114: {  	s24 =	smul.u32 @!p0 $0x3, s23;
	[tilespmem:v5+s14+$0x0] =	vst.idx.add.f32.msk $0xffff, v3;
	v11 =	vand.u32 $0x1FFFF0, v11;
	v9 =	vadd.s32 v4, v9  }
0x115: {  	v11 =	vadd.s32 v4, v11;
	[tilespmem:v7+s14+$0x0] =	vst.idx.add.f32.msk $0xffff, v3  }
0x116: {  	s23 =	smul.u32 @!p0 $0xC0000, s23;
	s22 =	ssub.s32 @!p0 s22, s24;
	[tilespmem:v8+s14+$0x0] =	vst.idx.add.f32.msk $0xffff, v3;
	v8 =	vadd.s32 v4, v12  }
0x117: {  	s21 =	sshll.u32 @!p0 s21, $0xF;
	s22 =	sshll.u32 @!p0 s22, $0x12;
	[tilespmem:v6+s14+$0x0] =	vst.idx.add.f32.msk $0xffff, v3  }
0x118: {  	s21 =	sand.u32 @!p0 $0x30000, s21;
	s22 =	sadd.s32 @!p0 s22, s23;
	[tilespmem:v13+s14+$0x0] =	vst.idx.add.f32.msk $0xffff, v3  }
0x119: {  	s21 =	sor.u32 @!p0 s21, s22;
	[tilespmem:v9+s14+$0x0] =	vst.idx.add.f32.msk $0xffff, v3  }
0x11a: {  	s21 =	sshrl.u32 @!p0 s21, $0x3;
	[tilespmem:v11+s14+$0x0] =	vst.idx.add.f32.msk $0xffff, v3  }
0x11b: {  	s22 =	simm.s32 @!p0 $0x0;
	s21 =	sadd.s32 @!p0 s3, s21;
	[tilespmem:v8+s14+$0x0] =	vst.idx.add.f32.msk $0xffff, v3  }
0x11c: {  	[tilespmem:s22], [sflag:$0x1] =	stream.linear.gather @!p0 [hbm4b:s21+s22], $0x8000, $0x38;
	[tilespmem:$0x13000] =	vst v63  }
0x11d: {  	s29 =	simm.s32 $0x0;
	s30 =	simm.s32 $0x0;
	s21 =	simm.s32 $0x0  }
0x11e: {  	s22 =	sand.u32 $0x7000, s29;
	_ =	swait.ge [sflag:s15], $0x8000;
	s31 =	sand.u32 $0x800, s21  }
0x11f: {  	s23 =	sand.u32 $0x380, s30;
	[sflag:s15] =	ssyncset.done $0x0;
	s22 =	sor.u32 s31, s22  }
0x120: {  	[sflag:s15] =	ssyncadd.s32 $0xFFFF8000;
	s22 =	sor.u32 s23, s22  }
0x121: {  	v6 =	vld [tilespmem:s22+$0x8420]  }
0x122: {  	v5 =	vld [tilespmem:s22+$0x8410]  }
0x123: {  	v7 =	vld [tilespmem:s22+$0x8440]  }
0x124: {  	v8 =	vld [tilespmem:s22+$0x8000]  }
0x125: {  	v9 =	vld [tilespmem:s22+$0x8030]  }
0x126: {  	v10 =	vld [tilespmem:s22+$0x8460]  }
0x127: {  	v11 =	vld [tilespmem:s22+$0x8020]  }
0x128: {  	v14 =	vld [tilespmem:s22+$0x8400]  }
0x129: {  	v15 =	vld [tilespmem:s22+$0x8470]  }
0x12a: {  	v12 =	vld [tilespmem:s22+$0x8450];
	v13 =	vadd.f32 $1.000000000e+00, v5  }
0x12b: {  	v9 =	vadd.f32 $1.000000000e+00, v9;
	v7 =	vadd.f32 $1.000000000e+00, v7  }
0x12c: {  	v16 =	vadd.f32 $1.000000000e+00, v8;
	v17 =	vadd.f32 $1.000000000e+00, v10  }
0x12d: {  	v5 =	vadd.f32 $1.000000000e+00, v11;
	v6 =	vadd.f32 $1.000000000e+00, v6  }
0x12e: {  	v10 =	vadd.f32 $1.000000000e+00, v14;
	v15 =	vadd.f32 $1.000000000e+00, v15  }
0x12f: {  	v11 =	vld [tilespmem:s22+$0x8050];
	v8 =	vshrl.u32 v9, $0xB;
	v7 =	vshrl.u32 v7, $0xB;
	v9 =	vadd.f32 $1.000000000e+00, v12  }
0x130: {  	v14 =	vshrl.u32 v6, $0xB;
	v12 =	vshrl.u32 v13, $0xB;
	v20 =	vshrl.u32 v17, $0xB  }
0x131: {  	v17 =	vshrl.u32 v15, $0xB;
	v7 =	vand.u32 $0x1FFFF0, v7;
	v9 =	vshrl.u32 v9, $0xB  }
0x132: {  	v6 =	vld [tilespmem:s22+$0x8040];
	v15 =	vshrl.u32 v16, $0xB;
	v13 =	vadd.s32 v4, v7;
	v7 =	vand.u32 $0x1FFFF0, v9  }
0x133: {  	v16 =	vld [tilespmem:s22+$0x8070];
	v8 =	vand.u32 $0x1FFFF0, v8;
	v18 =	vand.u32 $0x1FFFF0, v12;
	v12 =	vadd.s32 v4, v7  }
0x134: {  	v9 =	vadd.s32 v4, v8;
	v8 =	vld [tilespmem:s22+$0x8430];
	v19 =	vadd.f32 $1.000000000e+00, v11;
	v11 =	vand.u32 $0x1FFFF0, v14  }
0x135: {  	s23 =	simm.s32 $0x0;
	v14 =	vand.u32 $0x1FFFF0, v20;
	v7 =	vld [tilespmem:s22+$0x8010];
	v11 =	vadd.s32 v4, v11  }
.LBB2_14:
0x136: {  	s23 =	sadd.s32 $0x10, s23;
	v15 =	vand.u32 $0x1FFFF0, v15;
	v20 =	vld [tilespmem:s22+$0x8060];
	v18 =	vadd.s32 v4, v18;
	v14 =	vadd.s32 v4, v14;
	s21 =	sadd.s32 $0x800, s21  }
0x137: {  	v5 =	vshrl.u32 v5, $0xB;
	v10 =	vshrl.u32 v10, $0xB;
	s22 =	sshll.u32 s23, $0x4;
	s24 =	sshll.u32 s23, $0x2;
	p1 =	slt.u32 s23, $0x7F0;
	v15 =	vadd.s32 v4, v15;
	[tilespmem:v13+s14+$0x0] =	vst.idx.add.f32.msk $0xffff, v3  }
0x138: {  	s25 =	sand.u32 $0x800, s21;
	v13 =	vshrl.u32 v19, $0xB;
	v10 =	vand.u32 $0x1FFFF0, v10;
	s22 =	sand.u32 $0x7000, s22;
	s24 =	sand.u32 $0x380, s24;
	[tilespmem:v12+s14+$0x0] =	vst.idx.add.f32.msk $0xffff, v3;
	v12 =	vand.u32 $0x1FFFF0, v17  }
0x139: {  	v10 =	vadd.s32 v4, v10;
	s22 =	sor.u32 s25, s22;
	[tilespmem:v9+s14+$0x0] =	vst.idx.add.f32.msk $0xffff, v3;
	v9 =	vand.u32 $0x1FFFF0, v13;
	v12 =	vadd.s32 v4, v12  }
0x13a: {  	v6 =	vadd.f32 $1.000000000e+00, v6;
	s22 =	sor.u32 s24, s22;
	v9 =	vadd.s32 v4, v9;
	v13 =	vadd.f32 $1.000000000e+00, v16;
	[tilespmem:v11+s14+$0x0] =	vst.idx.add.f32.msk $0xffff, v3  }
0x13b: {  	v5 =	vand.u32 $0x1FFFF0, v5;
	v8 =	vadd.f32 $1.000000000e+00, v8;
	v7 =	vadd.f32 $1.000000000e+00, v7;
	[tilespmem:v18+s14+$0x0] =	vst.idx.add.f32.msk $0xffff, v3  }
0x13c: {  	v5 =	vadd.s32 v4, v5;
	v16 =	vadd.f32 $1.000000000e+00, v20;
	v11 =	vld [tilespmem:s22+$0x8420];
	v13 =	vshrl.u32 v13, $0xB  }
0x13d: {  	v6 =	vshrl.u32 v6, $0xB;
	v8 =	vshrl.u32 v8, $0xB;
	v17 =	vld [tilespmem:s22+$0x8410];
	v13 =	vand.u32 $0x1FFFF0, v13  }
0x13e: {  	v6 =	vand.u32 $0x1FFFF0, v6;
	v8 =	vand.u32 $0x1FFFF0, v8;
	v16 =	vshrl.u32 v16, $0xB;
	[tilespmem:v12+s14+$0x0] =	vst.idx.add.f32.msk $0xffff, v3  }
0x13f: {  	v7 =	vshrl.u32 v7, $0xB;
	v6 =	vadd.s32 v4, v6;
	v12 =	vand.u32 $0x1FFFF0, v16;
	[tilespmem:v10+s14+$0x0] =	vst.idx.add.f32.msk $0xffff, v3  }
0x140: {  	v7 =	vand.u32 $0x1FFFF0, v7;
	v10 =	vld [tilespmem:s22+$0x8440]  }
0x141: {  	v13 =	vadd.s32 v4, v13;
	v16 =	vld [tilespmem:s22+$0x8450]  }
0x142: {  	v17 =	vadd.f32 $1.000000000e+00, v17;
	[tilespmem:v9+s14+$0x0] =	vst.idx.add.f32.msk $0xffff, v3  }
0x143: {  	v12 =	vadd.s32 v4, v12;
	v9 =	vld [tilespmem:s22+$0x8470]  }
0x144: {  	v8 =	vadd.s32 v4, v8;
	v18 =	vld [tilespmem:s22+$0x8020]  }
0x145: {  	v19 =	vld [tilespmem:s22+$0x8000]  }
0x146: {  	v20 =	vld [tilespmem:s22+$0x8460]  }
0x147: {  	v21 =	vld [tilespmem:s22+$0x8030]  }
0x148: {  	v22 =	vld [tilespmem:s22+$0x8050]  }
0x149: {  	[tilespmem:v13+s14+$0x0] =	vst.idx.add.f32.msk $0xffff, v3  }
0x14a: {  	v7 =	vadd.s32 v4, v7;
	[tilespmem:v8+s14+$0x0] =	vst.idx.add.f32.msk $0xffff, v3  }
0x14b: {  	v8 =	vld [tilespmem:s22+$0x8400]  }
0x14c: {  	v10 =	vadd.f32 $1.000000000e+00, v10;
	v13 =	vadd.f32 $1.000000000e+00, v21;
	[tilespmem:v12+s14+$0x0] =	vst.idx.add.f32.msk $0xffff, v3  }
0x14d: {  	v21 =	vadd.f32 $1.000000000e+00, v19;
	v19 =	vadd.f32 $1.000000000e+00, v20;
	[tilespmem:v5+s14+$0x0] =	vst.idx.add.f32.msk $0xffff, v3  }
0x14e: {  	v11 =	vadd.f32 $1.000000000e+00, v11;
	v5 =	vadd.f32 $1.000000000e+00, v18;
	v12 =	vshrl.u32 v13, $0xB;
	[tilespmem:v6+s14+$0x0] =	vst.idx.add.f32.msk $0xffff, v3  }
0x14f: {  	v6 =	vshrl.u32 v10, $0xB;
	v13 =	vadd.f32 $1.000000000e+00, v16;
	v12 =	vand.u32 $0x1FFFF0, v12;
	[tilespmem:v7+s14+$0x0] =	vst.idx.add.f32.msk $0xffff, v3  }
0x150: {  	v11 =	vshrl.u32 v11, $0xB;
	v7 =	vand.u32 $0x1FFFF0, v6;
	v10 =	vadd.f32 $1.000000000e+00, v8;
	[tilespmem:v15+s14+$0x0] =	vst.idx.add.f32.msk $0xffff, v3  }
.Ltmp8:
0x151: {  	v16 =	vadd.f32 $1.000000000e+00, v9;
	v8 =	vshrl.u32 v17, $0xB;
	v15 =	vshrl.u32 v13, $0xB;
	[tilespmem:v14+s14+$0x0] =	vst.idx.add.f32.msk $0xffff, v3;
	(pc) =	sbr.rel @p1 .LBB2_14-.Ltmp8, $4  }
0x152: {  	v13 =	vadd.s32 v4, v7;
	v18 =	vand.u32 $0x1FFFF0, v8;
	v7 =	vand.u32 $0x1FFFF0, v15;
	v6 =	vld [tilespmem:s22+$0x8040]  }
0x153: {  	v9 =	vadd.s32 v4, v12;
	v14 =	vshrl.u32 v19, $0xB;
	v12 =	vadd.s32 v4, v7;
	v8 =	vld [tilespmem:s22+$0x8430]  }
0x154: {  	v11 =	vand.u32 $0x1FFFF0, v11;
	v17 =	vshrl.u32 v16, $0xB;
	v19 =	vadd.f32 $1.000000000e+00, v22;
	v7 =	vld [tilespmem:s22+$0x8010]  }
0x155: {  	v11 =	vadd.s32 v4, v11;
	v15 =	vshrl.u32 v21, $0xB;
	v14 =	vand.u32 $0x1FFFF0, v14;
	v16 =	vld [tilespmem:s22+$0x8070]  }
0x156: {  	_ = 	snop  }
0x157: {  	v18 =	vadd.s32 v4, v18  }
0x158: {  	v10 =	vshrl.u32 v10, $0xB;
	v5 =	vshrl.u32 v5, $0xB;
	v19 =	vshrl.u32 v19, $0xB  }
0x159: {  	v20 =	vld [tilespmem:s22+$0x8060];
	v17 =	vand.u32 $0x1FFFF0, v17;
	v63 =	vand.u32 $0x1FFFF0, v15;
	v10 =	vand.u32 $0x1FFFF0, v10  }
0x15a: {  	[tilespmem:v13+s14+$0x0] =	vst.idx.add.f32.msk $0xffff, v3;
	v19 =	vand.u32 $0x1FFFF0, v19;
	v58 =	vadd.s32 v4, v17;
	v6 =	vadd.f32 $1.000000000e+00, v6  }
0x15b: {  	[tilespmem:v9+s14+$0x0] =	vst.idx.add.f32.msk $0xffff, v3;
	v5 =	vand.u32 $0x1FFFF0, v5;
	v9 =	vadd.s32 v4, v63;
	v10 =	vadd.s32 v4, v10  }
0x15c: {  	[tilespmem:v12+s14+$0x0] =	vst.idx.add.f32.msk $0xffff, v3;
	v8 =	vadd.f32 $1.000000000e+00, v8;
	v60 =	vadd.s32 v4, v19;
	v5 =	vadd.s32 v4, v5  }
0x15d: {  	[tilespmem:v11+s14+$0x0] =	vst.idx.add.f32.msk $0xffff, v3;
	v7 =	vadd.f32 $1.000000000e+00, v7;
	v6 =	vshrl.u32 v6, $0xB;
	v16 =	vadd.f32 $1.000000000e+00, v16  }
0x15e: {  	v8 =	vshrl.u32 v8, $0xB;
	v6 =	vand.u32 $0x1FFFF0, v6;
	v59 =	vadd.f32 $1.000000000e+00, v20;
	[tilespmem:v18+s14+$0x0] =	vst.idx.add.f32.msk $0xffff, v3  }
0x15f: {  	v8 =	vand.u32 $0x1FFFF0, v8;
	v7 =	vshrl.u32 v7, $0xB;
	v6 =	vadd.s32 v4, v6;
	[tilespmem:v58+s14+$0x0] =	vst.idx.add.f32.msk $0xffff, v3  }
0x160: {  	v16 =	vshrl.u32 v16, $0xB;
	v8 =	vadd.s32 v4, v8;
	v7 =	vand.u32 $0x1FFFF0, v7;
	[tilespmem:v9+s14+$0x0] =	vst.idx.add.f32.msk $0xffff, v3  }
0x161: {  	v16 =	vand.u32 $0x1FFFF0, v16;
	v61 =	vshrl.u32 v59, $0xB;
	[tilespmem:v10+s14+$0x0] =	vst.idx.add.f32.msk $0xffff, v3;
	v7 =	vadd.s32 v4, v7  }
0x162: {  	[tilespmem:v60+s14+$0x0] =	vst.idx.add.f32.msk $0xffff, v3;
	v62 =	vadd.s32 v4, v16;
	v11 =	vand.u32 $0x1FFFF0, v61  }
0x163: {  	[tilespmem:v5+s14+$0x0] =	vst.idx.add.f32.msk $0xffff, v3;
	v11 =	vadd.s32 v4, v11  }
0x164: {  	v4 =	vadd.s32 v4, v14;
	[tilespmem:v6+s14+$0x0] =	vst.idx.add.f32.msk $0xffff, v3  }
.Ltmp9:
0x165: {  	[tilespmem:v8+s14+$0x0] =	vst.idx.add.f32.msk $0xffff, v3;
	(pc) =	sbr.rel @p0 .LBB2_17-.Ltmp9, $4  }
0x166: {  	[tilespmem:v7+s14+$0x0] =	vst.idx.add.f32.msk $0xffff, v3  }
0x167: {  	[tilespmem:v62+s14+$0x0] =	vst.idx.add.f32.msk $0xffff, v3  }
0x168: {  	[tilespmem:v11+s14+$0x0] =	vst.idx.add.f32.msk $0xffff, v3  }
0x169: {  	[tilespmem:v4+s14+$0x0] =	vst.idx.add.f32.msk $0xffff, v3  }
0x16a: {  	s20 =	sadd.s32 $0x3, s20  }
0x16b: {  	s21 =	sshrl.u32 s20, $0x3  }
0x16c: {  	s21 =	sadd.s32 s5, s21  }
0x16d: {  	s22 =	smulhi.u32 $0x55555556, s21;
	_ =	sdelay $0x1  }
0x16e: {  	s23 =	smul.u32 $0x3, s22;
	_ =	sdelay $0x1  }
0x16f: {  	s22 =	smul.u32 $0xC0000, s22;
	s21 =	ssub.s32 s21, s23  }
0x170: {  	s20 =	sshll.u32 s20, $0xF;
	s21 =	sshll.u32 s21, $0x12  }
.Ltmp10:
0x171: {  	s20 =	sand.u32 $0x38000, s20;
	s21 =	sadd.s32 s21, s22;
	(pc) =	sbr.rel .LBB2_11-.Ltmp10, $4  }
0x172: {  	s20 =	sor.u32 s20, s21  }
0x173: {  	s20 =	sshrl.u32 s20, $0x3  }
0x174: {  	s19 =	sadd.s32 $0x1, s19;
	s20 =	sadd.s32 s3, s20  }
0x175: {  	[tilespmem:s12], [sflag:$0x2] =	stream.linear.gather [hbm4b:s20+s4], $0x8000, $0x38;
	[tilespmem:$0x13000] =	vst v63  }
.LBB2_18:
0x176: {  	_ =	sfence.sel $0x180000  }
0x177: {  	[bflag:$0x0] =	sbarrier.arrive $0xFFFF  }
0x178: {  	p0 =	sne.s32 s0, $0x0;
	_ =	strace $0x90000047  }
0x179: {  	s0 =	sadd.s32 @!p0 $0x100000, s2;
	[bflag:$0x2] =	sbarrier.arrive $0xFFFF  }
0x17a: {  	[sflag:s0] =	ssyncadd.tile.s32 @!p0 $0x1;
	_ =	shalt  }
.Lfunc_end2:
_tile_overlayer_lowered:
.L_overlay_start_2:
0x17b: {  	(tag) =	ssettag $0x2  }
0x17c: {  	s0 =	rddreg [dreg:$0x0];
	s2 =	stileid.u32  }
0x17d: {  	s1 =	rddreg [dreg:$0x1];
	p0 =	sne.s32 s2, $0x0  }
0x17e: {  	s3 =	rddreg [dreg:$0x2];
	[bflag:$0x3] =	sbarrier.arrive $0xFFFF;
	s2 =	simm.s32 @!p0 $0x1C03  }
0x17f: {  	[timem:s3], [sflag:s2] =	dma.local @!p0 [hbm:s0], s1  }
0x180: {  	s0 =	simm.s32 @!p0 $0x3  }
0x181: {  	_ =	swait.ge @!p0 [sflag:s0], s1  }
0x182: {  	s1 =	ssub.s32 @!p0 $0x0, s1;
	[sflag:s0] =	ssyncset.done @!p0 $0x0  }
0x183: {  	[sflag:s0] =	ssyncadd.s32 @!p0 s1  }
0x184: {  	[bflag:$0x3] =	sbarrier.arrive $0xFFFF  }
0x185: {  	_ =	shalt  }

</sc_bundles>
